<compile_context>
chip_gen: v7x
topology: tpu7x:2x2x1
jax: 0.10.2.dev20260603
libtpu: 0.0.44.dev20260713+nightly
codegen_flags: <defaults>
</compile_context>

<pallas_src>
import functools

import jax
import jax.numpy as jnp
from jax import lax
from jax.experimental import pallas as pl
from jax.experimental.pallas import tpu as pltpu
from jax.experimental.pallas import tpu_sc as plsc

DEPTH = 200
PER_W = 8
N_WORKERS = DEPTH // PER_W
LANES = 16
DIM = 16
SLAB = 128


def _body(inputs_hbm, label_hbm, emb1t_hbm, emb2t_hbm,
          out_sig_hbm, out_tgt_hbm,
          idx_v, xidx_v, slabs_v, pslab_v, label_v, sig_v, tgt_v, sem):
    wid = lax.axis_index("s") * 2 + lax.axis_index("c")

    @pl.when(wid < N_WORKERS)
    def _():
        base = wid * PER_W
        st1 = pltpu.async_copy(inputs_hbm.at[1, pl.ds(base, PER_W)],
                               idx_v.at[pl.ds(0, PER_W)], sem)
        st2 = pltpu.async_copy(inputs_hbm.at[0, pl.ds(0, PER_W)],
                               xidx_v.at[pl.ds(0, PER_W)], sem)
        st3 = pltpu.async_copy(label_hbm.at[0, pl.ds(base, PER_W)],
                               label_v.at[pl.ds(0, PER_W)], sem)
        st1.wait()
        st2.wait()
        st3.wait()

        lanes = lax.iota(jnp.int32, LANES)
        active = lanes < PER_W
        idxr = jnp.where(active, idx_v[...], 0)
        x0 = xidx_v[...][0]
        xstart = (x0 // SLAB) * SLAB
        copies = [pltpu.async_copy(
            emb1t_hbm.at[:, pl.ds(xstart, SLAB)], pslab_v, sem)]
        for i in range(PER_W):
            vi = idxr[i]
            vstart = (vi // SLAB) * SLAB
            copies.append(pltpu.async_copy(
                emb2t_hbm.at[:, pl.ds(vstart, SLAB)],
                slabs_v.at[pl.ds(i * DIM, DIM), :], sem))
        for cp in copies:
            cp.wait()

        subv = jnp.bitwise_and(idxr, SLAB - 1)
        xsub = jnp.bitwise_and(x0, SLAB - 1)
        pvec = plsc.load_gather(pslab_v, [lanes, jnp.full((LANES,), xsub)])
        slot = jnp.where(active, lanes, 0)
        acc = jnp.zeros((LANES,), jnp.float32)
        for f in range(DIM):
            vals = plsc.load_gather(slabs_v, [slot * DIM + f, subv])
            acc = acc + vals * pvec[f]

        sig = 1.0 / (1.0 + jnp.exp(-acc))
        mask_i = (sig >= 0.5).astype(jnp.int32)
        lbl = label_v[...]
        tgt = (mask_i == lbl).astype(jnp.int32)

        sig_v[...] = sig
        tgt_v[...] = tgt
        pltpu.sync_copy(sig_v.at[pl.ds(0, PER_W)],
                        out_sig_hbm.at[0, pl.ds(base, PER_W)])
        pltpu.sync_copy(tgt_v.at[pl.ds(0, PER_W)],
                        out_tgt_hbm.at[0, pl.ds(base, PER_W)])


@jax.jit
def kernel(inputs, label, embedding_1, embedding_2):
    mesh = plsc.VectorSubcoreMesh(core_axis_name="c", subcore_axis_name="s")
    run = functools.partial(
        pl.kernel,
        out_type=[
            jax.ShapeDtypeStruct((1, DEPTH), jnp.float32),
            jax.ShapeDtypeStruct((1, DEPTH), jnp.int32),
        ],
        mesh=mesh,
        compiler_params=pltpu.CompilerParams(
            needs_layout_passes=False,
            disable_bounds_checks=True,
            disable_semaphore_checks=True),
        scratch_types=[
            pltpu.VMEM((LANES,), jnp.int32),
            pltpu.VMEM((LANES,), jnp.int32),
            pltpu.VMEM((PER_W * DIM, SLAB), jnp.float32),
            pltpu.VMEM((DIM, SLAB), jnp.float32),
            pltpu.VMEM((LANES,), jnp.int32),
            pltpu.VMEM((LANES,), jnp.float32),
            pltpu.VMEM((LANES,), jnp.int32),
            pltpu.SemaphoreType.DMA,
        ],
    )(_body)
    sig, tgt = run(inputs.astype(jnp.int32), label.astype(jnp.int32),
                   embedding_1.T, embedding_2.T)
    return (sig, tgt.astype(label.dtype))

# --- scband reference (transcript-rebuilt; emitter-appended) ---
"""Pipeline reference for scband-skip-gram-with-hierarchy-81673098101556 (READ-ONLY COPY).

The authoritative reference and input builder live on the scoring server;
editing this copy changes nothing except your own understanding.
"""

import jax, jax.numpy as jnp
import numpy as np

VOCAB = 1000000
DIM = 16
DEPTH = 200

def setup_inputs(seed: int = 0) -> dict:
    key = jax.random.key(seed)
    k1, k2, k3, k4 = jax.random.split(key, 4)
    # inputs: row 0 holds the center-word idx (only first element used, mimicking [x_input[0]]),
    # row 1 holds the hierarchy direction path (indices into embedding_2)
    inputs = jax.random.randint(k1, (2, DEPTH), 0, 999999)
    label = jax.random.randint(k2, (1, DEPTH), 0, 2)
    # embedding_1: (vocab_size + 1, projection_layer) with padding_idx = vocab_size zeroed
    embedding_1 = jax.random.normal(k3, (VOCAB + 1, DIM), dtype=jnp.float32) * 0.02
    embedding_1 = embedding_1.at[VOCAB].set(0.0)
    # embedding_2: (vocab_size - 1, projection_layer) internal-node (hierarchy) vectors
    embedding_2 = jax.random.normal(k4, (VOCAB - 1, DIM), dtype=jnp.float32) * 0.02
    return {"inputs": inputs, "label": label, "embedding_1": embedding_1, "embedding_2": embedding_2}

def reference(inputs, label, embedding_1, embedding_2):
    # forward_step: x_idx = [x_input[0]] (shape [1]); dir_path = x_input[1] (shape [depth])
    x_idx = inputs[0][:1]
    dir_path = inputs[1]
    proj = jnp.take(embedding_1, x_idx, axis=0)            # [1, D]
    hierarchy_vectors = jnp.take(embedding_2, dir_path, axis=0)  # [depth, D]
    output = jnp.matmul(proj, hierarchy_vectors.T)          # [1, depth]
    output = jax.nn.sigmoid(output)
    # mask[output >= 0.5] = 1
    mask = (output >= 0.5).astype(output.dtype)
    # target = zeros_like(label); target[mask == label] = 1
    target = jnp.where(mask == label.astype(output.dtype), 1, 0).astype(label.dtype)
    return (output, target)

if False:  # reference __main__ guard neutralized (emitter)
    out = reference(**setup_inputs())
    print(out[0].shape, out[1].shape)

if __name__ == "__main__":
    import jax
    _d = setup_inputs()
    print(jax.jit(kernel)(*tuple(_d.values())))

</pallas_src>

<mosaic_0001>
#map = affine_map<(d0, d1) -> (0, 0)>
module attributes {stable_mosaic.version = 14 : i64} {
  func.func @_body(%arg0: i32, %arg1: i32, %arg2: memref<2x200xi32, #tpu.memory_space<hbm>>, %arg3: memref<1x200xi32, #tpu.memory_space<hbm>>, %arg4: memref<16x1000001xf32, #tpu.memory_space<hbm>>, %arg5: memref<16x999999xf32, #tpu.memory_space<hbm>>, %arg6: memref<1x200xf32, #tpu.memory_space<hbm>>, %arg7: memref<1x200xi32, #tpu.memory_space<hbm>>, %arg8: memref<16xi32, #tpu.memory_space<vmem>>, %arg9: memref<16xi32, #tpu.memory_space<vmem>>, %arg10: memref<128x128xf32, #tpu.memory_space<vmem>>, %arg11: memref<16x128xf32, #tpu.memory_space<vmem>>, %arg12: memref<16xi32, #tpu.memory_space<vmem>>, %arg13: memref<16xf32, #tpu.memory_space<vmem>>, %arg14: memref<16xi32, #tpu.memory_space<vmem>>, %arg15: memref<!tpu.dma_semaphore, #tpu.memory_space<semaphore_mem>>) attributes {dimension_semantics = [#tpu.dimension_semantics<core_parallel>, #tpu.dimension_semantics<subcore_parallel>], iteration_bounds = array<i64: 2, 16>, scalar_prefetch = 0 : i64, scratch_operands = 8 : i64, tpu.core_type = #tpu.core_type<sc_vector_subcore>, window_params = [{transform_indices = #map}, {transform_indices = #map}, {transform_indices = #map}, {transform_indices = #map}, {transform_indices = #map}, {transform_indices = #map}]} {
    %mul3A = arith.constant 2 : i32
    %mul3A_0 = arith.muli %arg1, %mul3A : i32
    %add3A = arith.addi %mul3A_0, %arg0 : i32
    %lt3A = arith.constant 25 : i32
    %lt3A_1 = arith.cmpi slt, %add3A, %lt3A : i32
    %convert_element_type3A = arith.extui %lt3A_1 : i1 to i32
    %cond3A = arith.constant 0 : i32
    %cond3A_2 = arith.cmpi ne, %convert_element_type3A, %cond3A : i32
    scf.if %cond3A_2 {
      %mul3A_3 = arith.constant 8 : i32
      %mul3A_4 = arith.muli %add3A, %mul3A_3 : i32
      %dma_start3A = arith.constant 1 : i32
      %dma_start3A_5 = arith.constant 0 : i32
      %dma_start3A_6 = tpu.memref_slice %arg8[%dma_start3A_5] : memref<16xi32, #tpu.memory_space<vmem>> -> memref<8xi32, #tpu.memory_space<vmem>>
      %dma_start3A_7 = tpu.memref_slice %arg2[%dma_start3A, %mul3A_4] : memref<2x200xi32, #tpu.memory_space<hbm>> -> memref<1x8xi32, #tpu.memory_space<hbm>>
      %dma_start3A_8 = tpu.memref_squeeze %dma_start3A_7 : memref<1x8xi32, #tpu.memory_space<hbm>> -> memref<8xi32, #tpu.memory_space<hbm>>
      %dma_start3A_9 = arith.constant 0 : i32
      %dma_start3A_10 = tpu.memref_slice %arg8[%dma_start3A_9] : memref<16xi32, #tpu.memory_space<vmem>> -> memref<8xi32, #tpu.memory_space<vmem>>
      %dma_start3A_11 = tpu.memref_slice %arg2[%dma_start3A, %mul3A_4] : memref<2x200xi32, #tpu.memory_space<hbm>> -> memref<1x8xi32, #tpu.memory_space<hbm>>
      %dma_start3A_12 = tpu.memref_squeeze %dma_start3A_11 : memref<1x8xi32, #tpu.memory_space<hbm>> -> memref<8xi32, #tpu.memory_space<hbm>>
      tpu.enqueue_dma source(%dma_start3A_12 : memref<8xi32, #tpu.memory_space<hbm>>) target(%dma_start3A_10 : memref<8xi32, #tpu.memory_space<vmem>>) target_semaphore(%arg15 : memref<!tpu.dma_semaphore, #tpu.memory_space<semaphore_mem>>)
      %dma_start3A_13 = arith.constant 0 : i32
      %dma_start3A_14 = arith.constant 0 : i32
      %dma_start3A_15 = tpu.memref_slice %arg9[%dma_start3A_14] : memref<16xi32, #tpu.memory_space<vmem>> -> memref<8xi32, #tpu.memory_space<vmem>>
      %dma_start3A_16 = arith.constant 0 : i32
      %dma_start3A_17 = tpu.memref_slice %arg2[%dma_start3A_13, %dma_start3A_16] : memref<2x200xi32, #tpu.memory_space<hbm>> -> memref<1x8xi32, #tpu.memory_space<hbm>>
      %dma_start3A_18 = tpu.memref_squeeze %dma_start3A_17 : memref<1x8xi32, #tpu.memory_space<hbm>> -> memref<8xi32, #tpu.memory_space<hbm>>
      %dma_start3A_19 = arith.constant 0 : i32
      %dma_start3A_20 = tpu.memref_slice %arg9[%dma_start3A_19] : memref<16xi32, #tpu.memory_space<vmem>> -> memref<8xi32, #tpu.memory_space<vmem>>
      %dma_start3A_21 = arith.constant 0 : i32
      %dma_start3A_22 = tpu.memref_slice %arg2[%dma_start3A_13, %dma_start3A_21] : memref<2x200xi32, #tpu.memory_space<hbm>> -> memref<1x8xi32, #tpu.memory_space<hbm>>
      %dma_start3A_23 = tpu.memref_squeeze %dma_start3A_22 : memref<1x8xi32, #tpu.memory_space<hbm>> -> memref<8xi32, #tpu.memory_space<hbm>>
      tpu.enqueue_dma source(%dma_start3A_23 : memref<8xi32, #tpu.memory_space<hbm>>) target(%dma_start3A_20 : memref<8xi32, #tpu.memory_space<vmem>>) target_semaphore(%arg15 : memref<!tpu.dma_semaphore, #tpu.memory_space<semaphore_mem>>)
      %dma_start3A_24 = arith.constant 0 : i32
      %dma_start3A_25 = arith.constant 0 : i32
      %dma_start3A_26 = tpu.memref_slice %arg12[%dma_start3A_25] : memref<16xi32, #tpu.memory_space<vmem>> -> memref<8xi32, #tpu.memory_space<vmem>>
      %dma_start3A_27 = tpu.memref_slice %arg3[%dma_start3A_24, %mul3A_4] : memref<1x200xi32, #tpu.memory_space<hbm>> -> memref<1x8xi32, #tpu.memory_space<hbm>>
      %dma_start3A_28 = tpu.memref_squeeze %dma_start3A_27 : memref<1x8xi32, #tpu.memory_space<hbm>> -> memref<8xi32, #tpu.memory_space<hbm>>
      %dma_start3A_29 = arith.constant 0 : i32
      %dma_start3A_30 = tpu.memref_slice %arg12[%dma_start3A_29] : memref<16xi32, #tpu.memory_space<vmem>> -> memref<8xi32, #tpu.memory_space<vmem>>
      %dma_start3A_31 = tpu.memref_slice %arg3[%dma_start3A_24, %mul3A_4] : memref<1x200xi32, #tpu.memory_space<hbm>> -> memref<1x8xi32, #tpu.memory_space<hbm>>
      %dma_start3A_32 = tpu.memref_squeeze %dma_start3A_31 : memref<1x8xi32, #tpu.memory_space<hbm>> -> memref<8xi32, #tpu.memory_space<hbm>>
      tpu.enqueue_dma source(%dma_start3A_32 : memref<8xi32, #tpu.memory_space<hbm>>) target(%dma_start3A_30 : memref<8xi32, #tpu.memory_space<vmem>>) target_semaphore(%arg15 : memref<!tpu.dma_semaphore, #tpu.memory_space<semaphore_mem>>)
      %dma_wait3A = arith.constant 1 : i32
      %dma_wait3A_33 = arith.constant 0 : i32
      %dma_wait3A_34 = tpu.memref_slice %arg8[%dma_wait3A_33] : memref<16xi32, #tpu.memory_space<vmem>> -> memref<8xi32, #tpu.memory_space<vmem>>
      %dma_wait3A_35 = tpu.memref_slice %arg2[%dma_wait3A, %mul3A_4] : memref<2x200xi32, #tpu.memory_space<hbm>> -> memref<1x8xi32, #tpu.memory_space<hbm>>
      %dma_wait3A_36 = tpu.memref_squeeze %dma_wait3A_35 : memref<1x8xi32, #tpu.memory_space<hbm>> -> memref<8xi32, #tpu.memory_space<hbm>>
      %dma_wait3A_37 = arith.constant 0 : i32
      %dma_wait3A_38 = tpu.memref_slice %arg8[%dma_wait3A_37] : memref<16xi32, #tpu.memory_space<vmem>> -> memref<8xi32, #tpu.memory_space<vmem>>
      %dma_wait3A_39 = tpu.memref_slice %arg2[%dma_wait3A, %mul3A_4] : memref<2x200xi32, #tpu.memory_space<hbm>> -> memref<1x8xi32, #tpu.memory_space<hbm>>
      %dma_wait3A_40 = tpu.memref_squeeze %dma_wait3A_39 : memref<1x8xi32, #tpu.memory_space<hbm>> -> memref<8xi32, #tpu.memory_space<hbm>>
      tpu.wait_dma2 semaphore(%arg15 : memref<!tpu.dma_semaphore, #tpu.memory_space<semaphore_mem>>) src(%dma_wait3A_40 : memref<8xi32, #tpu.memory_space<hbm>>) dst(%dma_wait3A_38 : memref<8xi32, #tpu.memory_space<vmem>>)
      %dma_wait3A_41 = arith.constant 0 : i32
      %dma_wait3A_42 = arith.constant 0 : i32
      %dma_wait3A_43 = tpu.memref_slice %arg9[%dma_wait3A_42] : memref<16xi32, #tpu.memory_space<vmem>> -> memref<8xi32, #tpu.memory_space<vmem>>
      %dma_wait3A_44 = arith.constant 0 : i32
      %dma_wait3A_45 = tpu.memref_slice %arg2[%dma_wait3A_41, %dma_wait3A_44] : memref<2x200xi32, #tpu.memory_space<hbm>> -> memref<1x8xi32, #tpu.memory_space<hbm>>
      %dma_wait3A_46 = tpu.memref_squeeze %dma_wait3A_45 : memref<1x8xi32, #tpu.memory_space<hbm>> -> memref<8xi32, #tpu.memory_space<hbm>>
      %dma_wait3A_47 = arith.constant 0 : i32
      %dma_wait3A_48 = tpu.memref_slice %arg9[%dma_wait3A_47] : memref<16xi32, #tpu.memory_space<vmem>> -> memref<8xi32, #tpu.memory_space<vmem>>
      %dma_wait3A_49 = arith.constant 0 : i32
      %dma_wait3A_50 = tpu.memref_slice %arg2[%dma_wait3A_41, %dma_wait3A_49] : memref<2x200xi32, #tpu.memory_space<hbm>> -> memref<1x8xi32, #tpu.memory_space<hbm>>
      %dma_wait3A_51 = tpu.memref_squeeze %dma_wait3A_50 : memref<1x8xi32, #tpu.memory_space<hbm>> -> memref<8xi32, #tpu.memory_space<hbm>>
      tpu.wait_dma2 semaphore(%arg15 : memref<!tpu.dma_semaphore, #tpu.memory_space<semaphore_mem>>) src(%dma_wait3A_51 : memref<8xi32, #tpu.memory_space<hbm>>) dst(%dma_wait3A_48 : memref<8xi32, #tpu.memory_space<vmem>>)
      %dma_wait3A_52 = arith.constant 0 : i32
      %dma_wait3A_53 = arith.constant 0 : i32
      %dma_wait3A_54 = tpu.memref_slice %arg12[%dma_wait3A_53] : memref<16xi32, #tpu.memory_space<vmem>> -> memref<8xi32, #tpu.memory_space<vmem>>
      %dma_wait3A_55 = tpu.memref_slice %arg3[%dma_wait3A_52, %mul3A_4] : memref<1x200xi32, #tpu.memory_space<hbm>> -> memref<1x8xi32, #tpu.memory_space<hbm>>
      %dma_wait3A_56 = tpu.memref_squeeze %dma_wait3A_55 : memref<1x8xi32, #tpu.memory_space<hbm>> -> memref<8xi32, #tpu.memory_space<hbm>>
      %dma_wait3A_57 = arith.constant 0 : i32
      %dma_wait3A_58 = tpu.memref_slice %arg12[%dma_wait3A_57] : memref<16xi32, #tpu.memory_space<vmem>> -> memref<8xi32, #tpu.memory_space<vmem>>
      %dma_wait3A_59 = tpu.memref_slice %arg3[%dma_wait3A_52, %mul3A_4] : memref<1x200xi32, #tpu.memory_space<hbm>> -> memref<1x8xi32, #tpu.memory_space<hbm>>
      %dma_wait3A_60 = tpu.memref_squeeze %dma_wait3A_59 : memref<1x8xi32, #tpu.memory_space<hbm>> -> memref<8xi32, #tpu.memory_space<hbm>>
      tpu.wait_dma2 semaphore(%arg15 : memref<!tpu.dma_semaphore, #tpu.memory_space<semaphore_mem>>) src(%dma_wait3A_60 : memref<8xi32, #tpu.memory_space<hbm>>) dst(%dma_wait3A_58 : memref<8xi32, #tpu.memory_space<vmem>>)
      %iota3A = tpu.iota {dimensions = array<i32: 0>} : vector<16xi32>
      %lt3A_61 = arith.constant 8 : i32
      %lt3A_62 = vector.broadcast %lt3A_61 : i32 to vector<16xi32>
      %lt3A_63 = arith.cmpi slt, %iota3A, %lt3A_62 : vector<16xi32>
      %get3A = arith.constant 0 : index
      %get3A_64 = tpu.vector_load %arg8[%get3A] {strides = array<i32>} : memref<16xi32, #tpu.memory_space<vmem>>, vector<16xi32>,
      %jit3A = arith.constant 0 : i32
      %broadcast_in_dim3A = vector.broadcast %jit3A : i32 to vector<16xi32>
      %select_n3A = arith.select %lt3A_63, %get3A_64, %broadcast_in_dim3A : vector<16xi1>, vector<16xi32>
      %get3A_65 = arith.constant 0 : index
      %get3A_66 = tpu.vector_load %arg9[%get3A_65] {strides = array<i32>} : memref<16xi32, #tpu.memory_space<vmem>>, vector<16xi32>,
      %slice3A = vector.extract_strided_slice %get3A_66 {offsets = [0], sizes = [1], strides = [1]} : vector<16xi32> to vector<1xi32>
      %squeeze3A = vector.extract %slice3A[0] : i32 from vector<1xi32>
      %jit3A_67 = arith.constant 128 : i32
      %div3A = arith.divsi %squeeze3A, %jit3A_67 : i32
      %sign3A = arith.constant 0 : i32
      %sign3A_68 = arith.cmpi sgt, %squeeze3A, %sign3A : i32
      %sign3A_69 = arith.extui %sign3A_68 : i1 to i32
      %sign3A_70 = arith.constant 0 : i32
      %sign3A_71 = arith.cmpi slt, %squeeze3A, %sign3A_70 : i32
      %sign3A_72 = arith.extui %sign3A_71 : i1 to i32
      %sign3A_73 = arith.subi %sign3A_69, %sign3A_72 : i32
      %sign3A_74 = arith.constant 0 : i32
      %sign3A_75 = arith.cmpi sgt, %jit3A_67, %sign3A_74 : i32
      %sign3A_76 = arith.extui %sign3A_75 : i1 to i32
      %sign3A_77 = arith.constant 0 : i32
      %sign3A_78 = arith.cmpi slt, %jit3A_67, %sign3A_77 : i32
      %sign3A_79 = arith.extui %sign3A_78 : i1 to i32
      %sign3A_80 = arith.subi %sign3A_76, %sign3A_79 : i32
      %ne3A = arith.cmpi ne, %sign3A_73, %sign3A_80 : i32
      %rem3A = arith.remsi %squeeze3A, %jit3A_67 : i32
      %ne3A_81 = arith.constant 0 : i32
      %ne3A_82 = arith.cmpi ne, %rem3A, %ne3A_81 : i32
      %and3A = arith.andi %ne3A, %ne3A_82 : i1
      %sub3A = arith.constant 1 : i32
      %sub3A_83 = arith.subi %div3A, %sub3A : i32
      %select_n3A_84 = arith.select %and3A, %sub3A_83, %div3A : i32
      %mul3A_85 = arith.constant 128 : i32
      %mul3A_86 = arith.muli %select_n3A_84, %mul3A_85 : i32
      %dma_start3A_87 = arith.constant 0 : i32
      %dma_start3A_88 = tpu.memref_slice %arg4[%dma_start3A_87, %mul3A_86] : memref<16x1000001xf32, #tpu.memory_space<hbm>> -> memref<16x128xf32, #tpu.memory_space<hbm>>
      %dma_start3A_89 = arith.constant 0 : i32
      %dma_start3A_90 = tpu.memref_slice %arg4[%dma_start3A_89, %mul3A_86] : memref<16x1000001xf32, #tpu.memory_space<hbm>> -> memref<16x128xf32, #tpu.memory_space<hbm>>
      tpu.enqueue_dma source(%dma_start3A_90 : memref<16x128xf32, #tpu.memory_space<hbm>>) target(%arg11 : memref<16x128xf32, #tpu.memory_space<vmem>>) target_semaphore(%arg15 : memref<!tpu.dma_semaphore, #tpu.memory_space<semaphore_mem>>)
      %slice3A_91 = vector.extract_strided_slice %select_n3A {offsets = [0], sizes = [1], strides = [1]} : vector<16xi32> to vector<1xi32>
      %squeeze3A_92 = vector.extract %slice3A_91[0] : i32 from vector<1xi32>
      %jit3A_93 = arith.constant 128 : i32
      %div3A_94 = arith.divsi %squeeze3A_92, %jit3A_93 : i32
      %sign3A_95 = arith.constant 0 : i32
      %sign3A_96 = arith.cmpi sgt, %squeeze3A_92, %sign3A_95 : i32
      %sign3A_97 = arith.extui %sign3A_96 : i1 to i32
      %sign3A_98 = arith.constant 0 : i32
      %sign3A_99 = arith.cmpi slt, %squeeze3A_92, %sign3A_98 : i32
      %sign3A_100 = arith.extui %sign3A_99 : i1 to i32
      %sign3A_101 = arith.subi %sign3A_97, %sign3A_100 : i32
      %sign3A_102 = arith.constant 0 : i32
      %sign3A_103 = arith.cmpi sgt, %jit3A_93, %sign3A_102 : i32
      %sign3A_104 = arith.extui %sign3A_103 : i1 to i32
      %sign3A_105 = arith.constant 0 : i32
      %sign3A_106 = arith.cmpi slt, %jit3A_93, %sign3A_105 : i32
      %sign3A_107 = arith.extui %sign3A_106 : i1 to i32
      %sign3A_108 = arith.subi %sign3A_104, %sign3A_107 : i32
      %ne3A_109 = arith.cmpi ne, %sign3A_101, %sign3A_108 : i32
      %rem3A_110 = arith.remsi %squeeze3A_92, %jit3A_93 : i32
      %ne3A_111 = arith.constant 0 : i32
      %ne3A_112 = arith.cmpi ne, %rem3A_110, %ne3A_111 : i32
      %and3A_113 = arith.andi %ne3A_109, %ne3A_112 : i1
      %sub3A_114 = arith.constant 1 : i32
      %sub3A_115 = arith.subi %div3A_94, %sub3A_114 : i32
      %select_n3A_116 = arith.select %and3A_113, %sub3A_115, %div3A_94 : i32
      %mul3A_117 = arith.constant 128 : i32
      %mul3A_118 = arith.muli %select_n3A_116, %mul3A_117 : i32
      %dma_start3A_119 = arith.constant 0 : i32
      %dma_start3A_120 = arith.constant 0 : i32
      %dma_start3A_121 = tpu.memref_slice %arg10[%dma_start3A_119, %dma_start3A_120] : memref<128x128xf32, #tpu.memory_space<vmem>> -> memref<16x128xf32, #tpu.memory_space<vmem>>
      %dma_start3A_122 = arith.constant 0 : i32
      %dma_start3A_123 = tpu.memref_slice %arg5[%dma_start3A_122, %mul3A_118] : memref<16x999999xf32, #tpu.memory_space<hbm>> -> memref<16x128xf32, #tpu.memory_space<hbm>>
      %dma_start3A_124 = arith.constant 0 : i32
      %dma_start3A_125 = arith.constant 0 : i32
      %dma_start3A_126 = tpu.memref_slice %arg10[%dma_start3A_124, %dma_start3A_125] : memref<128x128xf32, #tpu.memory_space<vmem>> -> memref<16x128xf32, #tpu.memory_space<vmem>>
      %dma_start3A_127 = arith.constant 0 : i32
      %dma_start3A_128 = tpu.memref_slice %arg5[%dma_start3A_127, %mul3A_118] : memref<16x999999xf32, #tpu.memory_space<hbm>> -> memref<16x128xf32, #tpu.memory_space<hbm>>
      tpu.enqueue_dma source(%dma_start3A_128 : memref<16x128xf32, #tpu.memory_space<hbm>>) target(%dma_start3A_126 : memref<16x128xf32, #tpu.memory_space<vmem>>) target_semaphore(%arg15 : memref<!tpu.dma_semaphore, #tpu.memory_space<semaphore_mem>>)
      %slice3A_129 = vector.extract_strided_slice %select_n3A {offsets = [1], sizes = [1], strides = [1]} : vector<16xi32> to vector<1xi32>
      %squeeze3A_130 = vector.extract %slice3A_129[0] : i32 from vector<1xi32>
      %jit3A_131 = arith.constant 128 : i32
      %div3A_132 = arith.divsi %squeeze3A_130, %jit3A_131 : i32
      %sign3A_133 = arith.constant 0 : i32
      %sign3A_134 = arith.cmpi sgt, %squeeze3A_130, %sign3A_133 : i32
      %sign3A_135 = arith.extui %sign3A_134 : i1 to i32
      %sign3A_136 = arith.constant 0 : i32
      %sign3A_137 = arith.cmpi slt, %squeeze3A_130, %sign3A_136 : i32
      %sign3A_138 = arith.extui %sign3A_137 : i1 to i32
      %sign3A_139 = arith.subi %sign3A_135, %sign3A_138 : i32
      %sign3A_140 = arith.constant 0 : i32
      %sign3A_141 = arith.cmpi sgt, %jit3A_131, %sign3A_140 : i32
      %sign3A_142 = arith.extui %sign3A_141 : i1 to i32
      %sign3A_143 = arith.constant 0 : i32
      %sign3A_144 = arith.cmpi slt, %jit3A_131, %sign3A_143 : i32
      %sign3A_145 = arith.extui %sign3A_144 : i1 to i32
      %sign3A_146 = arith.subi %sign3A_142, %sign3A_145 : i32
      %ne3A_147 = arith.cmpi ne, %sign3A_139, %sign3A_146 : i32
      %rem3A_148 = arith.remsi %squeeze3A_130, %jit3A_131 : i32
      %ne3A_149 = arith.constant 0 : i32
      %ne3A_150 = arith.cmpi ne, %rem3A_148, %ne3A_149 : i32
      %and3A_151 = arith.andi %ne3A_147, %ne3A_150 : i1
      %sub3A_152 = arith.constant 1 : i32
      %sub3A_153 = arith.subi %div3A_132, %sub3A_152 : i32
      %select_n3A_154 = arith.select %and3A_151, %sub3A_153, %div3A_132 : i32
      %mul3A_155 = arith.constant 128 : i32
      %mul3A_156 = arith.muli %select_n3A_154, %mul3A_155 : i32
      %dma_start3A_157 = arith.constant 16 : i32
      %dma_start3A_158 = arith.constant 0 : i32
      %dma_start3A_159 = tpu.memref_slice %arg10[%dma_start3A_157, %dma_start3A_158] : memref<128x128xf32, #tpu.memory_space<vmem>> -> memref<16x128xf32, #tpu.memory_space<vmem>>
      %dma_start3A_160 = arith.constant 0 : i32
      %dma_start3A_161 = tpu.memref_slice %arg5[%dma_start3A_160, %mul3A_156] : memref<16x999999xf32, #tpu.memory_space<hbm>> -> memref<16x128xf32, #tpu.memory_space<hbm>>
      %dma_start3A_162 = arith.constant 16 : i32
      %dma_start3A_163 = arith.constant 0 : i32
      %dma_start3A_164 = tpu.memref_slice %arg10[%dma_start3A_162, %dma_start3A_163] : memref<128x128xf32, #tpu.memory_space<vmem>> -> memref<16x128xf32, #tpu.memory_space<vmem>>
      %dma_start3A_165 = arith.constant 0 : i32
      %dma_start3A_166 = tpu.memref_slice %arg5[%dma_start3A_165, %mul3A_156] : memref<16x999999xf32, #tpu.memory_space<hbm>> -> memref<16x128xf32, #tpu.memory_space<hbm>>
      tpu.enqueue_dma source(%dma_start3A_166 : memref<16x128xf32, #tpu.memory_space<hbm>>) target(%dma_start3A_164 : memref<16x128xf32, #tpu.memory_space<vmem>>) target_semaphore(%arg15 : memref<!tpu.dma_semaphore, #tpu.memory_space<semaphore_mem>>)
      %slice3A_167 = vector.extract_strided_slice %select_n3A {offsets = [2], sizes = [1], strides = [1]} : vector<16xi32> to vector<1xi32>
      %squeeze3A_168 = vector.extract %slice3A_167[0] : i32 from vector<1xi32>
      %jit3A_169 = arith.constant 128 : i32
      %div3A_170 = arith.divsi %squeeze3A_168, %jit3A_169 : i32
      %sign3A_171 = arith.constant 0 : i32
      %sign3A_172 = arith.cmpi sgt, %squeeze3A_168, %sign3A_171 : i32
      %sign3A_173 = arith.extui %sign3A_172 : i1 to i32
      %sign3A_174 = arith.constant 0 : i32
      %sign3A_175 = arith.cmpi slt, %squeeze3A_168, %sign3A_174 : i32
      %sign3A_176 = arith.extui %sign3A_175 : i1 to i32
      %sign3A_177 = arith.subi %sign3A_173, %sign3A_176 : i32
      %sign3A_178 = arith.constant 0 : i32
      %sign3A_179 = arith.cmpi sgt, %jit3A_169, %sign3A_178 : i32
      %sign3A_180 = arith.extui %sign3A_179 : i1 to i32
      %sign3A_181 = arith.constant 0 : i32
      %sign3A_182 = arith.cmpi slt, %jit3A_169, %sign3A_181 : i32
      %sign3A_183 = arith.extui %sign3A_182 : i1 to i32
      %sign3A_184 = arith.subi %sign3A_180, %sign3A_183 : i32
      %ne3A_185 = arith.cmpi ne, %sign3A_177, %sign3A_184 : i32
      %rem3A_186 = arith.remsi %squeeze3A_168, %jit3A_169 : i32
      %ne3A_187 = arith.constant 0 : i32
      %ne3A_188 = arith.cmpi ne, %rem3A_186, %ne3A_187 : i32
      %and3A_189 = arith.andi %ne3A_185, %ne3A_188 : i1
      %sub3A_190 = arith.constant 1 : i32
      %sub3A_191 = arith.subi %div3A_170, %sub3A_190 : i32
      %select_n3A_192 = arith.select %and3A_189, %sub3A_191, %div3A_170 : i32
      %mul3A_193 = arith.constant 128 : i32
      %mul3A_194 = arith.muli %select_n3A_192, %mul3A_193 : i32
      %dma_start3A_195 = arith.constant 32 : i32
      %dma_start3A_196 = arith.constant 0 : i32
      %dma_start3A_197 = tpu.memref_slice %arg10[%dma_start3A_195, %dma_start3A_196] : memref<128x128xf32, #tpu.memory_space<vmem>> -> memref<16x128xf32, #tpu.memory_space<vmem>>
      %dma_start3A_198 = arith.constant 0 : i32
      %dma_start3A_199 = tpu.memref_slice %arg5[%dma_start3A_198, %mul3A_194] : memref<16x999999xf32, #tpu.memory_space<hbm>> -> memref<16x128xf32, #tpu.memory_space<hbm>>
      %dma_start3A_200 = arith.constant 32 : i32
      %dma_start3A_201 = arith.constant 0 : i32
      %dma_start3A_202 = tpu.memref_slice %arg10[%dma_start3A_200, %dma_start3A_201] : memref<128x128xf32, #tpu.memory_space<vmem>> -> memref<16x128xf32, #tpu.memory_space<vmem>>
      %dma_start3A_203 = arith.constant 0 : i32
      %dma_start3A_204 = tpu.memref_slice %arg5[%dma_start3A_203, %mul3A_194] : memref<16x999999xf32, #tpu.memory_space<hbm>> -> memref<16x128xf32, #tpu.memory_space<hbm>>
      tpu.enqueue_dma source(%dma_start3A_204 : memref<16x128xf32, #tpu.memory_space<hbm>>) target(%dma_start3A_202 : memref<16x128xf32, #tpu.memory_space<vmem>>) target_semaphore(%arg15 : memref<!tpu.dma_semaphore, #tpu.memory_space<semaphore_mem>>)
      %slice3A_205 = vector.extract_strided_slice %select_n3A {offsets = [3], sizes = [1], strides = [1]} : vector<16xi32> to vector<1xi32>
      %squeeze3A_206 = vector.extract %slice3A_205[0] : i32 from vector<1xi32>
      %jit3A_207 = arith.constant 128 : i32
      %div3A_208 = arith.divsi %squeeze3A_206, %jit3A_207 : i32
      %sign3A_209 = arith.constant 0 : i32
      %sign3A_210 = arith.cmpi sgt, %squeeze3A_206, %sign3A_209 : i32
      %sign3A_211 = arith.extui %sign3A_210 : i1 to i32
      %sign3A_212 = arith.constant 0 : i32
      %sign3A_213 = arith.cmpi slt, %squeeze3A_206, %sign3A_212 : i32
      %sign3A_214 = arith.extui %sign3A_213 : i1 to i32
      %sign3A_215 = arith.subi %sign3A_211, %sign3A_214 : i32
      %sign3A_216 = arith.constant 0 : i32
      %sign3A_217 = arith.cmpi sgt, %jit3A_207, %sign3A_216 : i32
      %sign3A_218 = arith.extui %sign3A_217 : i1 to i32
      %sign3A_219 = arith.constant 0 : i32
      %sign3A_220 = arith.cmpi slt, %jit3A_207, %sign3A_219 : i32
      %sign3A_221 = arith.extui %sign3A_220 : i1 to i32
      %sign3A_222 = arith.subi %sign3A_218, %sign3A_221 : i32
      %ne3A_223 = arith.cmpi ne, %sign3A_215, %sign3A_222 : i32
      %rem3A_224 = arith.remsi %squeeze3A_206, %jit3A_207 : i32
      %ne3A_225 = arith.constant 0 : i32
      %ne3A_226 = arith.cmpi ne, %rem3A_224, %ne3A_225 : i32
      %and3A_227 = arith.andi %ne3A_223, %ne3A_226 : i1
      %sub3A_228 = arith.constant 1 : i32
      %sub3A_229 = arith.subi %div3A_208, %sub3A_228 : i32
      %select_n3A_230 = arith.select %and3A_227, %sub3A_229, %div3A_208 : i32
      %mul3A_231 = arith.constant 128 : i32
      %mul3A_232 = arith.muli %select_n3A_230, %mul3A_231 : i32
      %dma_start3A_233 = arith.constant 48 : i32
      %dma_start3A_234 = arith.constant 0 : i32
      %dma_start3A_235 = tpu.memref_slice %arg10[%dma_start3A_233, %dma_start3A_234] : memref<128x128xf32, #tpu.memory_space<vmem>> -> memref<16x128xf32, #tpu.memory_space<vmem>>
      %dma_start3A_236 = arith.constant 0 : i32
      %dma_start3A_237 = tpu.memref_slice %arg5[%dma_start3A_236, %mul3A_232] : memref<16x999999xf32, #tpu.memory_space<hbm>> -> memref<16x128xf32, #tpu.memory_space<hbm>>
      %dma_start3A_238 = arith.constant 48 : i32
      %dma_start3A_239 = arith.constant 0 : i32
      %dma_start3A_240 = tpu.memref_slice %arg10[%dma_start3A_238, %dma_start3A_239] : memref<128x128xf32, #tpu.memory_space<vmem>> -> memref<16x128xf32, #tpu.memory_space<vmem>>
      %dma_start3A_241 = arith.constant 0 : i32
      %dma_start3A_242 = tpu.memref_slice %arg5[%dma_start3A_241, %mul3A_232] : memref<16x999999xf32, #tpu.memory_space<hbm>> -> memref<16x128xf32, #tpu.memory_space<hbm>>
      tpu.enqueue_dma source(%dma_start3A_242 : memref<16x128xf32, #tpu.memory_space<hbm>>) target(%dma_start3A_240 : memref<16x128xf32, #tpu.memory_space<vmem>>) target_semaphore(%arg15 : memref<!tpu.dma_semaphore, #tpu.memory_space<semaphore_mem>>)
      %slice3A_243 = vector.extract_strided_slice %select_n3A {offsets = [4], sizes = [1], strides = [1]} : vector<16xi32> to vector<1xi32>
      %squeeze3A_244 = vector.extract %slice3A_243[0] : i32 from vector<1xi32>
      %jit3A_245 = arith.constant 128 : i32
      %div3A_246 = arith.divsi %squeeze3A_244, %jit3A_245 : i32
      %sign3A_247 = arith.constant 0 : i32
      %sign3A_248 = arith.cmpi sgt, %squeeze3A_244, %sign3A_247 : i32
      %sign3A_249 = arith.extui %sign3A_248 : i1 to i32
      %sign3A_250 = arith.constant 0 : i32
      %sign3A_251 = arith.cmpi slt, %squeeze3A_244, %sign3A_250 : i32
      %sign3A_252 = arith.extui %sign3A_251 : i1 to i32
      %sign3A_253 = arith.subi %sign3A_249, %sign3A_252 : i32
      %sign3A_254 = arith.constant 0 : i32
      %sign3A_255 = arith.cmpi sgt, %jit3A_245, %sign3A_254 : i32
      %sign3A_256 = arith.extui %sign3A_255 : i1 to i32
      %sign3A_257 = arith.constant 0 : i32
      %sign3A_258 = arith.cmpi slt, %jit3A_245, %sign3A_257 : i32
      %sign3A_259 = arith.extui %sign3A_258 : i1 to i32
      %sign3A_260 = arith.subi %sign3A_256, %sign3A_259 : i32
      %ne3A_261 = arith.cmpi ne, %sign3A_253, %sign3A_260 : i32
      %rem3A_262 = arith.remsi %squeeze3A_244, %jit3A_245 : i32
      %ne3A_263 = arith.constant 0 : i32
      %ne3A_264 = arith.cmpi ne, %rem3A_262, %ne3A_263 : i32
      %and3A_265 = arith.andi %ne3A_261, %ne3A_264 : i1
      %sub3A_266 = arith.constant 1 : i32
      %sub3A_267 = arith.subi %div3A_246, %sub3A_266 : i32
      %select_n3A_268 = arith.select %and3A_265, %sub3A_267, %div3A_246 : i32
      %mul3A_269 = arith.constant 128 : i32
      %mul3A_270 = arith.muli %select_n3A_268, %mul3A_269 : i32
      %dma_start3A_271 = arith.constant 64 : i32
      %dma_start3A_272 = arith.constant 0 : i32
      %dma_start3A_273 = tpu.memref_slice %arg10[%dma_start3A_271, %dma_start3A_272] : memref<128x128xf32, #tpu.memory_space<vmem>> -> memref<16x128xf32, #tpu.memory_space<vmem>>
      %dma_start3A_274 = arith.constant 0 : i32
      %dma_start3A_275 = tpu.memref_slice %arg5[%dma_start3A_274, %mul3A_270] : memref<16x999999xf32, #tpu.memory_space<hbm>> -> memref<16x128xf32, #tpu.memory_space<hbm>>
      %dma_start3A_276 = arith.constant 64 : i32
      %dma_start3A_277 = arith.constant 0 : i32
      %dma_start3A_278 = tpu.memref_slice %arg10[%dma_start3A_276, %dma_start3A_277] : memref<128x128xf32, #tpu.memory_space<vmem>> -> memref<16x128xf32, #tpu.memory_space<vmem>>
      %dma_start3A_279 = arith.constant 0 : i32
      %dma_start3A_280 = tpu.memref_slice %arg5[%dma_start3A_279, %mul3A_270] : memref<16x999999xf32, #tpu.memory_space<hbm>> -> memref<16x128xf32, #tpu.memory_space<hbm>>
      tpu.enqueue_dma source(%dma_start3A_280 : memref<16x128xf32, #tpu.memory_space<hbm>>) target(%dma_start3A_278 : memref<16x128xf32, #tpu.memory_space<vmem>>) target_semaphore(%arg15 : memref<!tpu.dma_semaphore, #tpu.memory_space<semaphore_mem>>)
      %slice3A_281 = vector.extract_strided_slice %select_n3A {offsets = [5], sizes = [1], strides = [1]} : vector<16xi32> to vector<1xi32>
      %squeeze3A_282 = vector.extract %slice3A_281[0] : i32 from vector<1xi32>
      %jit3A_283 = arith.constant 128 : i32
      %div3A_284 = arith.divsi %squeeze3A_282, %jit3A_283 : i32
      %sign3A_285 = arith.constant 0 : i32
      %sign3A_286 = arith.cmpi sgt, %squeeze3A_282, %sign3A_285 : i32
      %sign3A_287 = arith.extui %sign3A_286 : i1 to i32
      %sign3A_288 = arith.constant 0 : i32
      %sign3A_289 = arith.cmpi slt, %squeeze3A_282, %sign3A_288 : i32
      %sign3A_290 = arith.extui %sign3A_289 : i1 to i32
      %sign3A_291 = arith.subi %sign3A_287, %sign3A_290 : i32
      %sign3A_292 = arith.constant 0 : i32
      %sign3A_293 = arith.cmpi sgt, %jit3A_283, %sign3A_292 : i32
      %sign3A_294 = arith.extui %sign3A_293 : i1 to i32
      %sign3A_295 = arith.constant 0 : i32
      %sign3A_296 = arith.cmpi slt, %jit3A_283, %sign3A_295 : i32
      %sign3A_297 = arith.extui %sign3A_296 : i1 to i32
      %sign3A_298 = arith.subi %sign3A_294, %sign3A_297 : i32
      %ne3A_299 = arith.cmpi ne, %sign3A_291, %sign3A_298 : i32
      %rem3A_300 = arith.remsi %squeeze3A_282, %jit3A_283 : i32
      %ne3A_301 = arith.constant 0 : i32
      %ne3A_302 = arith.cmpi ne, %rem3A_300, %ne3A_301 : i32
      %and3A_303 = arith.andi %ne3A_299, %ne3A_302 : i1
      %sub3A_304 = arith.constant 1 : i32
      %sub3A_305 = arith.subi %div3A_284, %sub3A_304 : i32
      %select_n3A_306 = arith.select %and3A_303, %sub3A_305, %div3A_284 : i32
      %mul3A_307 = arith.constant 128 : i32
      %mul3A_308 = arith.muli %select_n3A_306, %mul3A_307 : i32
      %dma_start3A_309 = arith.constant 80 : i32
      %dma_start3A_310 = arith.constant 0 : i32
      %dma_start3A_311 = tpu.memref_slice %arg10[%dma_start3A_309, %dma_start3A_310] : memref<128x128xf32, #tpu.memory_space<vmem>> -> memref<16x128xf32, #tpu.memory_space<vmem>>
      %dma_start3A_312 = arith.constant 0 : i32
      %dma_start3A_313 = tpu.memref_slice %arg5[%dma_start3A_312, %mul3A_308] : memref<16x999999xf32, #tpu.memory_space<hbm>> -> memref<16x128xf32, #tpu.memory_space<hbm>>
      %dma_start3A_314 = arith.constant 80 : i32
      %dma_start3A_315 = arith.constant 0 : i32
      %dma_start3A_316 = tpu.memref_slice %arg10[%dma_start3A_314, %dma_start3A_315] : memref<128x128xf32, #tpu.memory_space<vmem>> -> memref<16x128xf32, #tpu.memory_space<vmem>>
      %dma_start3A_317 = arith.constant 0 : i32
      %dma_start3A_318 = tpu.memref_slice %arg5[%dma_start3A_317, %mul3A_308] : memref<16x999999xf32, #tpu.memory_space<hbm>> -> memref<16x128xf32, #tpu.memory_space<hbm>>
      tpu.enqueue_dma source(%dma_start3A_318 : memref<16x128xf32, #tpu.memory_space<hbm>>) target(%dma_start3A_316 : memref<16x128xf32, #tpu.memory_space<vmem>>) target_semaphore(%arg15 : memref<!tpu.dma_semaphore, #tpu.memory_space<semaphore_mem>>)
      %slice3A_319 = vector.extract_strided_slice %select_n3A {offsets = [6], sizes = [1], strides = [1]} : vector<16xi32> to vector<1xi32>
      %squeeze3A_320 = vector.extract %slice3A_319[0] : i32 from vector<1xi32>
      %jit3A_321 = arith.constant 128 : i32
      %div3A_322 = arith.divsi %squeeze3A_320, %jit3A_321 : i32
      %sign3A_323 = arith.constant 0 : i32
      %sign3A_324 = arith.cmpi sgt, %squeeze3A_320, %sign3A_323 : i32
      %sign3A_325 = arith.extui %sign3A_324 : i1 to i32
      %sign3A_326 = arith.constant 0 : i32
      %sign3A_327 = arith.cmpi slt, %squeeze3A_320, %sign3A_326 : i32
      %sign3A_328 = arith.extui %sign3A_327 : i1 to i32
      %sign3A_329 = arith.subi %sign3A_325, %sign3A_328 : i32
      %sign3A_330 = arith.constant 0 : i32
      %sign3A_331 = arith.cmpi sgt, %jit3A_321, %sign3A_330 : i32
      %sign3A_332 = arith.extui %sign3A_331 : i1 to i32
      %sign3A_333 = arith.constant 0 : i32
      %sign3A_334 = arith.cmpi slt, %jit3A_321, %sign3A_333 : i32
      %sign3A_335 = arith.extui %sign3A_334 : i1 to i32
      %sign3A_336 = arith.subi %sign3A_332, %sign3A_335 : i32
      %ne3A_337 = arith.cmpi ne, %sign3A_329, %sign3A_336 : i32
      %rem3A_338 = arith.remsi %squeeze3A_320, %jit3A_321 : i32
      %ne3A_339 = arith.constant 0 : i32
      %ne3A_340 = arith.cmpi ne, %rem3A_338, %ne3A_339 : i32
      %and3A_341 = arith.andi %ne3A_337, %ne3A_340 : i1
      %sub3A_342 = arith.constant 1 : i32
      %sub3A_343 = arith.subi %div3A_322, %sub3A_342 : i32
      %select_n3A_344 = arith.select %and3A_341, %sub3A_343, %div3A_322 : i32
      %mul3A_345 = arith.constant 128 : i32
      %mul3A_346 = arith.muli %select_n3A_344, %mul3A_345 : i32
      %dma_start3A_347 = arith.constant 96 : i32
      %dma_start3A_348 = arith.constant 0 : i32
      %dma_start3A_349 = tpu.memref_slice %arg10[%dma_start3A_347, %dma_start3A_348] : memref<128x128xf32, #tpu.memory_space<vmem>> -> memref<16x128xf32, #tpu.memory_space<vmem>>
      %dma_start3A_350 = arith.constant 0 : i32
      %dma_start3A_351 = tpu.memref_slice %arg5[%dma_start3A_350, %mul3A_346] : memref<16x999999xf32, #tpu.memory_space<hbm>> -> memref<16x128xf32, #tpu.memory_space<hbm>>
      %dma_start3A_352 = arith.constant 96 : i32
      %dma_start3A_353 = arith.constant 0 : i32
      %dma_start3A_354 = tpu.memref_slice %arg10[%dma_start3A_352, %dma_start3A_353] : memref<128x128xf32, #tpu.memory_space<vmem>> -> memref<16x128xf32, #tpu.memory_space<vmem>>
      %dma_start3A_355 = arith.constant 0 : i32
      %dma_start3A_356 = tpu.memref_slice %arg5[%dma_start3A_355, %mul3A_346] : memref<16x999999xf32, #tpu.memory_space<hbm>> -> memref<16x128xf32, #tpu.memory_space<hbm>>
      tpu.enqueue_dma source(%dma_start3A_356 : memref<16x128xf32, #tpu.memory_space<hbm>>) target(%dma_start3A_354 : memref<16x128xf32, #tpu.memory_space<vmem>>) target_semaphore(%arg15 : memref<!tpu.dma_semaphore, #tpu.memory_space<semaphore_mem>>)
      %slice3A_357 = vector.extract_strided_slice %select_n3A {offsets = [7], sizes = [1], strides = [1]} : vector<16xi32> to vector<1xi32>
      %squeeze3A_358 = vector.extract %slice3A_357[0] : i32 from vector<1xi32>
      %jit3A_359 = arith.constant 128 : i32
      %div3A_360 = arith.divsi %squeeze3A_358, %jit3A_359 : i32
      %sign3A_361 = arith.constant 0 : i32
      %sign3A_362 = arith.cmpi sgt, %squeeze3A_358, %sign3A_361 : i32
      %sign3A_363 = arith.extui %sign3A_362 : i1 to i32
      %sign3A_364 = arith.constant 0 : i32
      %sign3A_365 = arith.cmpi slt, %squeeze3A_358, %sign3A_364 : i32
      %sign3A_366 = arith.extui %sign3A_365 : i1 to i32
      %sign3A_367 = arith.subi %sign3A_363, %sign3A_366 : i32
      %sign3A_368 = arith.constant 0 : i32
      %sign3A_369 = arith.cmpi sgt, %jit3A_359, %sign3A_368 : i32
      %sign3A_370 = arith.extui %sign3A_369 : i1 to i32
      %sign3A_371 = arith.constant 0 : i32
      %sign3A_372 = arith.cmpi slt, %jit3A_359, %sign3A_371 : i32
      %sign3A_373 = arith.extui %sign3A_372 : i1 to i32
      %sign3A_374 = arith.subi %sign3A_370, %sign3A_373 : i32
      %ne3A_375 = arith.cmpi ne, %sign3A_367, %sign3A_374 : i32
      %rem3A_376 = arith.remsi %squeeze3A_358, %jit3A_359 : i32
      %ne3A_377 = arith.constant 0 : i32
      %ne3A_378 = arith.cmpi ne, %rem3A_376, %ne3A_377 : i32
      %and3A_379 = arith.andi %ne3A_375, %ne3A_378 : i1
      %sub3A_380 = arith.constant 1 : i32
      %sub3A_381 = arith.subi %div3A_360, %sub3A_380 : i32
      %select_n3A_382 = arith.select %and3A_379, %sub3A_381, %div3A_360 : i32
      %mul3A_383 = arith.constant 128 : i32
      %mul3A_384 = arith.muli %select_n3A_382, %mul3A_383 : i32
      %dma_start3A_385 = arith.constant 112 : i32
      %dma_start3A_386 = arith.constant 0 : i32
      %dma_start3A_387 = tpu.memref_slice %arg10[%dma_start3A_385, %dma_start3A_386] : memref<128x128xf32, #tpu.memory_space<vmem>> -> memref<16x128xf32, #tpu.memory_space<vmem>>
      %dma_start3A_388 = arith.constant 0 : i32
      %dma_start3A_389 = tpu.memref_slice %arg5[%dma_start3A_388, %mul3A_384] : memref<16x999999xf32, #tpu.memory_space<hbm>> -> memref<16x128xf32, #tpu.memory_space<hbm>>
      %dma_start3A_390 = arith.constant 112 : i32
      %dma_start3A_391 = arith.constant 0 : i32
      %dma_start3A_392 = tpu.memref_slice %arg10[%dma_start3A_390, %dma_start3A_391] : memref<128x128xf32, #tpu.memory_space<vmem>> -> memref<16x128xf32, #tpu.memory_space<vmem>>
      %dma_start3A_393 = arith.constant 0 : i32
      %dma_start3A_394 = tpu.memref_slice %arg5[%dma_start3A_393, %mul3A_384] : memref<16x999999xf32, #tpu.memory_space<hbm>> -> memref<16x128xf32, #tpu.memory_space<hbm>>
      tpu.enqueue_dma source(%dma_start3A_394 : memref<16x128xf32, #tpu.memory_space<hbm>>) target(%dma_start3A_392 : memref<16x128xf32, #tpu.memory_space<vmem>>) target_semaphore(%arg15 : memref<!tpu.dma_semaphore, #tpu.memory_space<semaphore_mem>>)
      %dma_wait3A_395 = arith.constant 0 : i32
      %dma_wait3A_396 = tpu.memref_slice %arg4[%dma_wait3A_395, %mul3A_86] : memref<16x1000001xf32, #tpu.memory_space<hbm>> -> memref<16x128xf32, #tpu.memory_space<hbm>>
      %dma_wait3A_397 = arith.constant 0 : i32
      %dma_wait3A_398 = tpu.memref_slice %arg4[%dma_wait3A_397, %mul3A_86] : memref<16x1000001xf32, #tpu.memory_space<hbm>> -> memref<16x128xf32, #tpu.memory_space<hbm>>
      tpu.wait_dma2 semaphore(%arg15 : memref<!tpu.dma_semaphore, #tpu.memory_space<semaphore_mem>>) src(%dma_wait3A_398 : memref<16x128xf32, #tpu.memory_space<hbm>>) dst(%arg11 : memref<16x128xf32, #tpu.memory_space<vmem>>)
      %dma_wait3A_399 = arith.constant 0 : i32
      %dma_wait3A_400 = arith.constant 0 : i32
      %dma_wait3A_401 = tpu.memref_slice %arg10[%dma_wait3A_399, %dma_wait3A_400] : memref<128x128xf32, #tpu.memory_space<vmem>> -> memref<16x128xf32, #tpu.memory_space<vmem>>
      %dma_wait3A_402 = arith.constant 0 : i32
      %dma_wait3A_403 = tpu.memref_slice %arg5[%dma_wait3A_402, %mul3A_118] : memref<16x999999xf32, #tpu.memory_space<hbm>> -> memref<16x128xf32, #tpu.memory_space<hbm>>
      %dma_wait3A_404 = arith.constant 0 : i32
      %dma_wait3A_405 = arith.constant 0 : i32
      %dma_wait3A_406 = tpu.memref_slice %arg10[%dma_wait3A_404, %dma_wait3A_405] : memref<128x128xf32, #tpu.memory_space<vmem>> -> memref<16x128xf32, #tpu.memory_space<vmem>>
      %dma_wait3A_407 = arith.constant 0 : i32
      %dma_wait3A_408 = tpu.memref_slice %arg5[%dma_wait3A_407, %mul3A_118] : memref<16x999999xf32, #tpu.memory_space<hbm>> -> memref<16x128xf32, #tpu.memory_space<hbm>>
      tpu.wait_dma2 semaphore(%arg15 : memref<!tpu.dma_semaphore, #tpu.memory_space<semaphore_mem>>) src(%dma_wait3A_408 : memref<16x128xf32, #tpu.memory_space<hbm>>) dst(%dma_wait3A_406 : memref<16x128xf32, #tpu.memory_space<vmem>>)
      %dma_wait3A_409 = arith.constant 16 : i32
      %dma_wait3A_410 = arith.constant 0 : i32
      %dma_wait3A_411 = tpu.memref_slice %arg10[%dma_wait3A_409, %dma_wait3A_410] : memref<128x128xf32, #tpu.memory_space<vmem>> -> memref<16x128xf32, #tpu.memory_space<vmem>>
      %dma_wait3A_412 = arith.constant 0 : i32
      %dma_wait3A_413 = tpu.memref_slice %arg5[%dma_wait3A_412, %mul3A_156] : memref<16x999999xf32, #tpu.memory_space<hbm>> -> memref<16x128xf32, #tpu.memory_space<hbm>>
      %dma_wait3A_414 = arith.constant 16 : i32
      %dma_wait3A_415 = arith.constant 0 : i32
      %dma_wait3A_416 = tpu.memref_slice %arg10[%dma_wait3A_414, %dma_wait3A_415] : memref<128x128xf32, #tpu.memory_space<vmem>> -> memref<16x128xf32, #tpu.memory_space<vmem>>
      %dma_wait3A_417 = arith.constant 0 : i32
      %dma_wait3A_418 = tpu.memref_slice %arg5[%dma_wait3A_417, %mul3A_156] : memref<16x999999xf32, #tpu.memory_space<hbm>> -> memref<16x128xf32, #tpu.memory_space<hbm>>
      tpu.wait_dma2 semaphore(%arg15 : memref<!tpu.dma_semaphore, #tpu.memory_space<semaphore_mem>>) src(%dma_wait3A_418 : memref<16x128xf32, #tpu.memory_space<hbm>>) dst(%dma_wait3A_416 : memref<16x128xf32, #tpu.memory_space<vmem>>)
      %dma_wait3A_419 = arith.constant 32 : i32
      %dma_wait3A_420 = arith.constant 0 : i32
      %dma_wait3A_421 = tpu.memref_slice %arg10[%dma_wait3A_419, %dma_wait3A_420] : memref<128x128xf32, #tpu.memory_space<vmem>> -> memref<16x128xf32, #tpu.memory_space<vmem>>
      %dma_wait3A_422 = arith.constant 0 : i32
      %dma_wait3A_423 = tpu.memref_slice %arg5[%dma_wait3A_422, %mul3A_194] : memref<16x999999xf32, #tpu.memory_space<hbm>> -> memref<16x128xf32, #tpu.memory_space<hbm>>
      %dma_wait3A_424 = arith.constant 32 : i32
      %dma_wait3A_425 = arith.constant 0 : i32
      %dma_wait3A_426 = tpu.memref_slice %arg10[%dma_wait3A_424, %dma_wait3A_425] : memref<128x128xf32, #tpu.memory_space<vmem>> -> memref<16x128xf32, #tpu.memory_space<vmem>>
      %dma_wait3A_427 = arith.constant 0 : i32
      %dma_wait3A_428 = tpu.memref_slice %arg5[%dma_wait3A_427, %mul3A_194] : memref<16x999999xf32, #tpu.memory_space<hbm>> -> memref<16x128xf32, #tpu.memory_space<hbm>>
      tpu.wait_dma2 semaphore(%arg15 : memref<!tpu.dma_semaphore, #tpu.memory_space<semaphore_mem>>) src(%dma_wait3A_428 : memref<16x128xf32, #tpu.memory_space<hbm>>) dst(%dma_wait3A_426 : memref<16x128xf32, #tpu.memory_space<vmem>>)
      %dma_wait3A_429 = arith.constant 48 : i32
      %dma_wait3A_430 = arith.constant 0 : i32
      %dma_wait3A_431 = tpu.memref_slice %arg10[%dma_wait3A_429, %dma_wait3A_430] : memref<128x128xf32, #tpu.memory_space<vmem>> -> memref<16x128xf32, #tpu.memory_space<vmem>>
      %dma_wait3A_432 = arith.constant 0 : i32
      %dma_wait3A_433 = tpu.memref_slice %arg5[%dma_wait3A_432, %mul3A_232] : memref<16x999999xf32, #tpu.memory_space<hbm>> -> memref<16x128xf32, #tpu.memory_space<hbm>>
      %dma_wait3A_434 = arith.constant 48 : i32
      %dma_wait3A_435 = arith.constant 0 : i32
      %dma_wait3A_436 = tpu.memref_slice %arg10[%dma_wait3A_434, %dma_wait3A_435] : memref<128x128xf32, #tpu.memory_space<vmem>> -> memref<16x128xf32, #tpu.memory_space<vmem>>
      %dma_wait3A_437 = arith.constant 0 : i32
      %dma_wait3A_438 = tpu.memref_slice %arg5[%dma_wait3A_437, %mul3A_232] : memref<16x999999xf32, #tpu.memory_space<hbm>> -> memref<16x128xf32, #tpu.memory_space<hbm>>
      tpu.wait_dma2 semaphore(%arg15 : memref<!tpu.dma_semaphore, #tpu.memory_space<semaphore_mem>>) src(%dma_wait3A_438 : memref<16x128xf32, #tpu.memory_space<hbm>>) dst(%dma_wait3A_436 : memref<16x128xf32, #tpu.memory_space<vmem>>)
      %dma_wait3A_439 = arith.constant 64 : i32
      %dma_wait3A_440 = arith.constant 0 : i32
      %dma_wait3A_441 = tpu.memref_slice %arg10[%dma_wait3A_439, %dma_wait3A_440] : memref<128x128xf32, #tpu.memory_space<vmem>> -> memref<16x128xf32, #tpu.memory_space<vmem>>
      %dma_wait3A_442 = arith.constant 0 : i32
      %dma_wait3A_443 = tpu.memref_slice %arg5[%dma_wait3A_442, %mul3A_270] : memref<16x999999xf32, #tpu.memory_space<hbm>> -> memref<16x128xf32, #tpu.memory_space<hbm>>
      %dma_wait3A_444 = arith.constant 64 : i32
      %dma_wait3A_445 = arith.constant 0 : i32
      %dma_wait3A_446 = tpu.memref_slice %arg10[%dma_wait3A_444, %dma_wait3A_445] : memref<128x128xf32, #tpu.memory_space<vmem>> -> memref<16x128xf32, #tpu.memory_space<vmem>>
      %dma_wait3A_447 = arith.constant 0 : i32
      %dma_wait3A_448 = tpu.memref_slice %arg5[%dma_wait3A_447, %mul3A_270] : memref<16x999999xf32, #tpu.memory_space<hbm>> -> memref<16x128xf32, #tpu.memory_space<hbm>>
      tpu.wait_dma2 semaphore(%arg15 : memref<!tpu.dma_semaphore, #tpu.memory_space<semaphore_mem>>) src(%dma_wait3A_448 : memref<16x128xf32, #tpu.memory_space<hbm>>) dst(%dma_wait3A_446 : memref<16x128xf32, #tpu.memory_space<vmem>>)
      %dma_wait3A_449 = arith.constant 80 : i32
      %dma_wait3A_450 = arith.constant 0 : i32
      %dma_wait3A_451 = tpu.memref_slice %arg10[%dma_wait3A_449, %dma_wait3A_450] : memref<128x128xf32, #tpu.memory_space<vmem>> -> memref<16x128xf32, #tpu.memory_space<vmem>>
      %dma_wait3A_452 = arith.constant 0 : i32
      %dma_wait3A_453 = tpu.memref_slice %arg5[%dma_wait3A_452, %mul3A_308] : memref<16x999999xf32, #tpu.memory_space<hbm>> -> memref<16x128xf32, #tpu.memory_space<hbm>>
      %dma_wait3A_454 = arith.constant 80 : i32
      %dma_wait3A_455 = arith.constant 0 : i32
      %dma_wait3A_456 = tpu.memref_slice %arg10[%dma_wait3A_454, %dma_wait3A_455] : memref<128x128xf32, #tpu.memory_space<vmem>> -> memref<16x128xf32, #tpu.memory_space<vmem>>
      %dma_wait3A_457 = arith.constant 0 : i32
      %dma_wait3A_458 = tpu.memref_slice %arg5[%dma_wait3A_457, %mul3A_308] : memref<16x999999xf32, #tpu.memory_space<hbm>> -> memref<16x128xf32, #tpu.memory_space<hbm>>
      tpu.wait_dma2 semaphore(%arg15 : memref<!tpu.dma_semaphore, #tpu.memory_space<semaphore_mem>>) src(%dma_wait3A_458 : memref<16x128xf32, #tpu.memory_space<hbm>>) dst(%dma_wait3A_456 : memref<16x128xf32, #tpu.memory_space<vmem>>)
      %dma_wait3A_459 = arith.constant 96 : i32
      %dma_wait3A_460 = arith.constant 0 : i32
      %dma_wait3A_461 = tpu.memref_slice %arg10[%dma_wait3A_459, %dma_wait3A_460] : memref<128x128xf32, #tpu.memory_space<vmem>> -> memref<16x128xf32, #tpu.memory_space<vmem>>
      %dma_wait3A_462 = arith.constant 0 : i32
      %dma_wait3A_463 = tpu.memref_slice %arg5[%dma_wait3A_462, %mul3A_346] : memref<16x999999xf32, #tpu.memory_space<hbm>> -> memref<16x128xf32, #tpu.memory_space<hbm>>
      %dma_wait3A_464 = arith.constant 96 : i32
      %dma_wait3A_465 = arith.constant 0 : i32
      %dma_wait3A_466 = tpu.memref_slice %arg10[%dma_wait3A_464, %dma_wait3A_465] : memref<128x128xf32, #tpu.memory_space<vmem>> -> memref<16x128xf32, #tpu.memory_space<vmem>>
      %dma_wait3A_467 = arith.constant 0 : i32
      %dma_wait3A_468 = tpu.memref_slice %arg5[%dma_wait3A_467, %mul3A_346] : memref<16x999999xf32, #tpu.memory_space<hbm>> -> memref<16x128xf32, #tpu.memory_space<hbm>>
      tpu.wait_dma2 semaphore(%arg15 : memref<!tpu.dma_semaphore, #tpu.memory_space<semaphore_mem>>) src(%dma_wait3A_468 : memref<16x128xf32, #tpu.memory_space<hbm>>) dst(%dma_wait3A_466 : memref<16x128xf32, #tpu.memory_space<vmem>>)
      %dma_wait3A_469 = arith.constant 112 : i32
      %dma_wait3A_470 = arith.constant 0 : i32
      %dma_wait3A_471 = tpu.memref_slice %arg10[%dma_wait3A_469, %dma_wait3A_470] : memref<128x128xf32, #tpu.memory_space<vmem>> -> memref<16x128xf32, #tpu.memory_space<vmem>>
      %dma_wait3A_472 = arith.constant 0 : i32
      %dma_wait3A_473 = tpu.memref_slice %arg5[%dma_wait3A_472, %mul3A_384] : memref<16x999999xf32, #tpu.memory_space<hbm>> -> memref<16x128xf32, #tpu.memory_space<hbm>>
      %dma_wait3A_474 = arith.constant 112 : i32
      %dma_wait3A_475 = arith.constant 0 : i32
      %dma_wait3A_476 = tpu.memref_slice %arg10[%dma_wait3A_474, %dma_wait3A_475] : memref<128x128xf32, #tpu.memory_space<vmem>> -> memref<16x128xf32, #tpu.memory_space<vmem>>
      %dma_wait3A_477 = arith.constant 0 : i32
      %dma_wait3A_478 = tpu.memref_slice %arg5[%dma_wait3A_477, %mul3A_384] : memref<16x999999xf32, #tpu.memory_space<hbm>> -> memref<16x128xf32, #tpu.memory_space<hbm>>
      tpu.wait_dma2 semaphore(%arg15 : memref<!tpu.dma_semaphore, #tpu.memory_space<semaphore_mem>>) src(%dma_wait3A_478 : memref<16x128xf32, #tpu.memory_space<hbm>>) dst(%dma_wait3A_476 : memref<16x128xf32, #tpu.memory_space<vmem>>)
      %and3A_479 = arith.constant 127 : i32
      %and3A_480 = vector.broadcast %and3A_479 : i32 to vector<16xi32>
      %and3A_481 = arith.andi %select_n3A, %and3A_480 : vector<16xi32>
      %and3A_482 = arith.constant 127 : i32
      %and3A_483 = arith.andi %squeeze3A, %and3A_482 : i32
      %broadcast_in_dim3A_484 = vector.broadcast %and3A_483 : i32 to vector<16xi32>
      %gather3A = tpu.vector_load_idx %arg11[%iota3A, %broadcast_in_dim3A_484] : memref<16x128xf32, #tpu.memory_space<vmem>>[vector<16xi32>, vector<16xi32>], vector<16xf32>,
      %jit3A_485 = arith.constant 0 : i32
      %broadcast_in_dim3A_486 = vector.broadcast %jit3A_485 : i32 to vector<16xi32>
      %select_n3A_487 = arith.select %lt3A_63, %iota3A, %broadcast_in_dim3A_486 : vector<16xi1>, vector<16xi32>
      %broadcast_in_dim3A_488 = arith.constant 0.000000e+00 : f32
      %broadcast_in_dim3A_489 = vector.broadcast %broadcast_in_dim3A_488 : f32 to vector<16xf32>
      %mul3A_490 = arith.constant 16 : i32
      %mul3A_491 = vector.broadcast %mul3A_490 : i32 to vector<16xi32>
      %mul3A_492 = arith.muli %select_n3A_487, %mul3A_491 : vector<16xi32>
      %add3A_493 = arith.constant 0 : i32
      %add3A_494 = vector.broadcast %add3A_493 : i32 to vector<16xi32>
      %add3A_495 = arith.addi %mul3A_492, %add3A_494 : vector<16xi32>
      %gather3A_496 = tpu.vector_load_idx %arg10[%add3A_495, %and3A_481] : memref<128x128xf32, #tpu.memory_space<vmem>>[vector<16xi32>, vector<16xi32>], vector<16xf32>,
      %slice3A_497 = vector.extract_strided_slice %gather3A {offsets = [0], sizes = [1], strides = [1]} : vector<16xf32> to vector<1xf32>
      %squeeze3A_498 = vector.extract %slice3A_497[0] : f32 from vector<1xf32>
      %mul3A_499 = vector.broadcast %squeeze3A_498 : f32 to vector<16xf32>
      %mul3A_500 = arith.mulf %gather3A_496, %mul3A_499 : vector<16xf32>
      %add3A_501 = arith.addf %broadcast_in_dim3A_489, %mul3A_500 : vector<16xf32>
      %mul3A_502 = arith.constant 16 : i32
      %mul3A_503 = vector.broadcast %mul3A_502 : i32 to vector<16xi32>
      %mul3A_504 = arith.muli %select_n3A_487, %mul3A_503 : vector<16xi32>
      %add3A_505 = arith.constant 1 : i32
      %add3A_506 = vector.broadcast %add3A_505 : i32 to vector<16xi32>
      %add3A_507 = arith.addi %mul3A_504, %add3A_506 : vector<16xi32>
      %gather3A_508 = tpu.vector_load_idx %arg10[%add3A_507, %and3A_481] : memref<128x128xf32, #tpu.memory_space<vmem>>[vector<16xi32>, vector<16xi32>], vector<16xf32>,
      %slice3A_509 = vector.extract_strided_slice %gather3A {offsets = [1], sizes = [1], strides = [1]} : vector<16xf32> to vector<1xf32>
      %squeeze3A_510 = vector.extract %slice3A_509[0] : f32 from vector<1xf32>
      %mul3A_511 = vector.broadcast %squeeze3A_510 : f32 to vector<16xf32>
      %mul3A_512 = arith.mulf %gather3A_508, %mul3A_511 : vector<16xf32>
      %add3A_513 = arith.addf %add3A_501, %mul3A_512 : vector<16xf32>
      %mul3A_514 = arith.constant 16 : i32
      %mul3A_515 = vector.broadcast %mul3A_514 : i32 to vector<16xi32>
      %mul3A_516 = arith.muli %select_n3A_487, %mul3A_515 : vector<16xi32>
      %add3A_517 = arith.constant 2 : i32
      %add3A_518 = vector.broadcast %add3A_517 : i32 to vector<16xi32>
      %add3A_519 = arith.addi %mul3A_516, %add3A_518 : vector<16xi32>
      %gather3A_520 = tpu.vector_load_idx %arg10[%add3A_519, %and3A_481] : memref<128x128xf32, #tpu.memory_space<vmem>>[vector<16xi32>, vector<16xi32>], vector<16xf32>,
      %slice3A_521 = vector.extract_strided_slice %gather3A {offsets = [2], sizes = [1], strides = [1]} : vector<16xf32> to vector<1xf32>
      %squeeze3A_522 = vector.extract %slice3A_521[0] : f32 from vector<1xf32>
      %mul3A_523 = vector.broadcast %squeeze3A_522 : f32 to vector<16xf32>
      %mul3A_524 = arith.mulf %gather3A_520, %mul3A_523 : vector<16xf32>
      %add3A_525 = arith.addf %add3A_513, %mul3A_524 : vector<16xf32>
      %mul3A_526 = arith.constant 16 : i32
      %mul3A_527 = vector.broadcast %mul3A_526 : i32 to vector<16xi32>
      %mul3A_528 = arith.muli %select_n3A_487, %mul3A_527 : vector<16xi32>
      %add3A_529 = arith.constant 3 : i32
      %add3A_530 = vector.broadcast %add3A_529 : i32 to vector<16xi32>
      %add3A_531 = arith.addi %mul3A_528, %add3A_530 : vector<16xi32>
      %gather3A_532 = tpu.vector_load_idx %arg10[%add3A_531, %and3A_481] : memref<128x128xf32, #tpu.memory_space<vmem>>[vector<16xi32>, vector<16xi32>], vector<16xf32>,
      %slice3A_533 = vector.extract_strided_slice %gather3A {offsets = [3], sizes = [1], strides = [1]} : vector<16xf32> to vector<1xf32>
      %squeeze3A_534 = vector.extract %slice3A_533[0] : f32 from vector<1xf32>
      %mul3A_535 = vector.broadcast %squeeze3A_534 : f32 to vector<16xf32>
      %mul3A_536 = arith.mulf %gather3A_532, %mul3A_535 : vector<16xf32>
      %add3A_537 = arith.addf %add3A_525, %mul3A_536 : vector<16xf32>
      %mul3A_538 = arith.constant 16 : i32
      %mul3A_539 = vector.broadcast %mul3A_538 : i32 to vector<16xi32>
      %mul3A_540 = arith.muli %select_n3A_487, %mul3A_539 : vector<16xi32>
      %add3A_541 = arith.constant 4 : i32
      %add3A_542 = vector.broadcast %add3A_541 : i32 to vector<16xi32>
      %add3A_543 = arith.addi %mul3A_540, %add3A_542 : vector<16xi32>
      %gather3A_544 = tpu.vector_load_idx %arg10[%add3A_543, %and3A_481] : memref<128x128xf32, #tpu.memory_space<vmem>>[vector<16xi32>, vector<16xi32>], vector<16xf32>,
      %slice3A_545 = vector.extract_strided_slice %gather3A {offsets = [4], sizes = [1], strides = [1]} : vector<16xf32> to vector<1xf32>
      %squeeze3A_546 = vector.extract %slice3A_545[0] : f32 from vector<1xf32>
      %mul3A_547 = vector.broadcast %squeeze3A_546 : f32 to vector<16xf32>
      %mul3A_548 = arith.mulf %gather3A_544, %mul3A_547 : vector<16xf32>
      %add3A_549 = arith.addf %add3A_537, %mul3A_548 : vector<16xf32>
      %mul3A_550 = arith.constant 16 : i32
      %mul3A_551 = vector.broadcast %mul3A_550 : i32 to vector<16xi32>
      %mul3A_552 = arith.muli %select_n3A_487, %mul3A_551 : vector<16xi32>
      %add3A_553 = arith.constant 5 : i32
      %add3A_554 = vector.broadcast %add3A_553 : i32 to vector<16xi32>
      %add3A_555 = arith.addi %mul3A_552, %add3A_554 : vector<16xi32>
      %gather3A_556 = tpu.vector_load_idx %arg10[%add3A_555, %and3A_481] : memref<128x128xf32, #tpu.memory_space<vmem>>[vector<16xi32>, vector<16xi32>], vector<16xf32>,
      %slice3A_557 = vector.extract_strided_slice %gather3A {offsets = [5], sizes = [1], strides = [1]} : vector<16xf32> to vector<1xf32>
      %squeeze3A_558 = vector.extract %slice3A_557[0] : f32 from vector<1xf32>
      %mul3A_559 = vector.broadcast %squeeze3A_558 : f32 to vector<16xf32>
      %mul3A_560 = arith.mulf %gather3A_556, %mul3A_559 : vector<16xf32>
      %add3A_561 = arith.addf %add3A_549, %mul3A_560 : vector<16xf32>
      %mul3A_562 = arith.constant 16 : i32
      %mul3A_563 = vector.broadcast %mul3A_562 : i32 to vector<16xi32>
      %mul3A_564 = arith.muli %select_n3A_487, %mul3A_563 : vector<16xi32>
      %add3A_565 = arith.constant 6 : i32
      %add3A_566 = vector.broadcast %add3A_565 : i32 to vector<16xi32>
      %add3A_567 = arith.addi %mul3A_564, %add3A_566 : vector<16xi32>
      %gather3A_568 = tpu.vector_load_idx %arg10[%add3A_567, %and3A_481] : memref<128x128xf32, #tpu.memory_space<vmem>>[vector<16xi32>, vector<16xi32>], vector<16xf32>,
      %slice3A_569 = vector.extract_strided_slice %gather3A {offsets = [6], sizes = [1], strides = [1]} : vector<16xf32> to vector<1xf32>
      %squeeze3A_570 = vector.extract %slice3A_569[0] : f32 from vector<1xf32>
      %mul3A_571 = vector.broadcast %squeeze3A_570 : f32 to vector<16xf32>
      %mul3A_572 = arith.mulf %gather3A_568, %mul3A_571 : vector<16xf32>
      %add3A_573 = arith.addf %add3A_561, %mul3A_572 : vector<16xf32>
      %mul3A_574 = arith.constant 16 : i32
      %mul3A_575 = vector.broadcast %mul3A_574 : i32 to vector<16xi32>
      %mul3A_576 = arith.muli %select_n3A_487, %mul3A_575 : vector<16xi32>
      %add3A_577 = arith.constant 7 : i32
      %add3A_578 = vector.broadcast %add3A_577 : i32 to vector<16xi32>
      %add3A_579 = arith.addi %mul3A_576, %add3A_578 : vector<16xi32>
      %gather3A_580 = tpu.vector_load_idx %arg10[%add3A_579, %and3A_481] : memref<128x128xf32, #tpu.memory_space<vmem>>[vector<16xi32>, vector<16xi32>], vector<16xf32>,
      %slice3A_581 = vector.extract_strided_slice %gather3A {offsets = [7], sizes = [1], strides = [1]} : vector<16xf32> to vector<1xf32>
      %squeeze3A_582 = vector.extract %slice3A_581[0] : f32 from vector<1xf32>
      %mul3A_583 = vector.broadcast %squeeze3A_582 : f32 to vector<16xf32>
      %mul3A_584 = arith.mulf %gather3A_580, %mul3A_583 : vector<16xf32>
      %add3A_585 = arith.addf %add3A_573, %mul3A_584 : vector<16xf32>
      %mul3A_586 = arith.constant 16 : i32
      %mul3A_587 = vector.broadcast %mul3A_586 : i32 to vector<16xi32>
      %mul3A_588 = arith.muli %select_n3A_487, %mul3A_587 : vector<16xi32>
      %add3A_589 = arith.constant 8 : i32
      %add3A_590 = vector.broadcast %add3A_589 : i32 to vector<16xi32>
      %add3A_591 = arith.addi %mul3A_588, %add3A_590 : vector<16xi32>
      %gather3A_592 = tpu.vector_load_idx %arg10[%add3A_591, %and3A_481] : memref<128x128xf32, #tpu.memory_space<vmem>>[vector<16xi32>, vector<16xi32>], vector<16xf32>,
      %slice3A_593 = vector.extract_strided_slice %gather3A {offsets = [8], sizes = [1], strides = [1]} : vector<16xf32> to vector<1xf32>
      %squeeze3A_594 = vector.extract %slice3A_593[0] : f32 from vector<1xf32>
      %mul3A_595 = vector.broadcast %squeeze3A_594 : f32 to vector<16xf32>
      %mul3A_596 = arith.mulf %gather3A_592, %mul3A_595 : vector<16xf32>
      %add3A_597 = arith.addf %add3A_585, %mul3A_596 : vector<16xf32>
      %mul3A_598 = arith.constant 16 : i32
      %mul3A_599 = vector.broadcast %mul3A_598 : i32 to vector<16xi32>
      %mul3A_600 = arith.muli %select_n3A_487, %mul3A_599 : vector<16xi32>
      %add3A_601 = arith.constant 9 : i32
      %add3A_602 = vector.broadcast %add3A_601 : i32 to vector<16xi32>
      %add3A_603 = arith.addi %mul3A_600, %add3A_602 : vector<16xi32>
      %gather3A_604 = tpu.vector_load_idx %arg10[%add3A_603, %and3A_481] : memref<128x128xf32, #tpu.memory_space<vmem>>[vector<16xi32>, vector<16xi32>], vector<16xf32>,
      %slice3A_605 = vector.extract_strided_slice %gather3A {offsets = [9], sizes = [1], strides = [1]} : vector<16xf32> to vector<1xf32>
      %squeeze3A_606 = vector.extract %slice3A_605[0] : f32 from vector<1xf32>
      %mul3A_607 = vector.broadcast %squeeze3A_606 : f32 to vector<16xf32>
      %mul3A_608 = arith.mulf %gather3A_604, %mul3A_607 : vector<16xf32>
      %add3A_609 = arith.addf %add3A_597, %mul3A_608 : vector<16xf32>
      %mul3A_610 = arith.constant 16 : i32
      %mul3A_611 = vector.broadcast %mul3A_610 : i32 to vector<16xi32>
      %mul3A_612 = arith.muli %select_n3A_487, %mul3A_611 : vector<16xi32>
      %add3A_613 = arith.constant 10 : i32
      %add3A_614 = vector.broadcast %add3A_613 : i32 to vector<16xi32>
      %add3A_615 = arith.addi %mul3A_612, %add3A_614 : vector<16xi32>
      %gather3A_616 = tpu.vector_load_idx %arg10[%add3A_615, %and3A_481] : memref<128x128xf32, #tpu.memory_space<vmem>>[vector<16xi32>, vector<16xi32>], vector<16xf32>,
      %slice3A_617 = vector.extract_strided_slice %gather3A {offsets = [10], sizes = [1], strides = [1]} : vector<16xf32> to vector<1xf32>
      %squeeze3A_618 = vector.extract %slice3A_617[0] : f32 from vector<1xf32>
      %mul3A_619 = vector.broadcast %squeeze3A_618 : f32 to vector<16xf32>
      %mul3A_620 = arith.mulf %gather3A_616, %mul3A_619 : vector<16xf32>
      %add3A_621 = arith.addf %add3A_609, %mul3A_620 : vector<16xf32>
      %mul3A_622 = arith.constant 16 : i32
      %mul3A_623 = vector.broadcast %mul3A_622 : i32 to vector<16xi32>
      %mul3A_624 = arith.muli %select_n3A_487, %mul3A_623 : vector<16xi32>
      %add3A_625 = arith.constant 11 : i32
      %add3A_626 = vector.broadcast %add3A_625 : i32 to vector<16xi32>
      %add3A_627 = arith.addi %mul3A_624, %add3A_626 : vector<16xi32>
      %gather3A_628 = tpu.vector_load_idx %arg10[%add3A_627, %and3A_481] : memref<128x128xf32, #tpu.memory_space<vmem>>[vector<16xi32>, vector<16xi32>], vector<16xf32>,
      %slice3A_629 = vector.extract_strided_slice %gather3A {offsets = [11], sizes = [1], strides = [1]} : vector<16xf32> to vector<1xf32>
      %squeeze3A_630 = vector.extract %slice3A_629[0] : f32 from vector<1xf32>
      %mul3A_631 = vector.broadcast %squeeze3A_630 : f32 to vector<16xf32>
      %mul3A_632 = arith.mulf %gather3A_628, %mul3A_631 : vector<16xf32>
      %add3A_633 = arith.addf %add3A_621, %mul3A_632 : vector<16xf32>
      %mul3A_634 = arith.constant 16 : i32
      %mul3A_635 = vector.broadcast %mul3A_634 : i32 to vector<16xi32>
      %mul3A_636 = arith.muli %select_n3A_487, %mul3A_635 : vector<16xi32>
      %add3A_637 = arith.constant 12 : i32
      %add3A_638 = vector.broadcast %add3A_637 : i32 to vector<16xi32>
      %add3A_639 = arith.addi %mul3A_636, %add3A_638 : vector<16xi32>
      %gather3A_640 = tpu.vector_load_idx %arg10[%add3A_639, %and3A_481] : memref<128x128xf32, #tpu.memory_space<vmem>>[vector<16xi32>, vector<16xi32>], vector<16xf32>,
      %slice3A_641 = vector.extract_strided_slice %gather3A {offsets = [12], sizes = [1], strides = [1]} : vector<16xf32> to vector<1xf32>
      %squeeze3A_642 = vector.extract %slice3A_641[0] : f32 from vector<1xf32>
      %mul3A_643 = vector.broadcast %squeeze3A_642 : f32 to vector<16xf32>
      %mul3A_644 = arith.mulf %gather3A_640, %mul3A_643 : vector<16xf32>
      %add3A_645 = arith.addf %add3A_633, %mul3A_644 : vector<16xf32>
      %mul3A_646 = arith.constant 16 : i32
      %mul3A_647 = vector.broadcast %mul3A_646 : i32 to vector<16xi32>
      %mul3A_648 = arith.muli %select_n3A_487, %mul3A_647 : vector<16xi32>
      %add3A_649 = arith.constant 13 : i32
      %add3A_650 = vector.broadcast %add3A_649 : i32 to vector<16xi32>
      %add3A_651 = arith.addi %mul3A_648, %add3A_650 : vector<16xi32>
      %gather3A_652 = tpu.vector_load_idx %arg10[%add3A_651, %and3A_481] : memref<128x128xf32, #tpu.memory_space<vmem>>[vector<16xi32>, vector<16xi32>], vector<16xf32>,
      %slice3A_653 = vector.extract_strided_slice %gather3A {offsets = [13], sizes = [1], strides = [1]} : vector<16xf32> to vector<1xf32>
      %squeeze3A_654 = vector.extract %slice3A_653[0] : f32 from vector<1xf32>
      %mul3A_655 = vector.broadcast %squeeze3A_654 : f32 to vector<16xf32>
      %mul3A_656 = arith.mulf %gather3A_652, %mul3A_655 : vector<16xf32>
      %add3A_657 = arith.addf %add3A_645, %mul3A_656 : vector<16xf32>
      %mul3A_658 = arith.constant 16 : i32
      %mul3A_659 = vector.broadcast %mul3A_658 : i32 to vector<16xi32>
      %mul3A_660 = arith.muli %select_n3A_487, %mul3A_659 : vector<16xi32>
      %add3A_661 = arith.constant 14 : i32
      %add3A_662 = vector.broadcast %add3A_661 : i32 to vector<16xi32>
      %add3A_663 = arith.addi %mul3A_660, %add3A_662 : vector<16xi32>
      %gather3A_664 = tpu.vector_load_idx %arg10[%add3A_663, %and3A_481] : memref<128x128xf32, #tpu.memory_space<vmem>>[vector<16xi32>, vector<16xi32>], vector<16xf32>,
      %slice3A_665 = vector.extract_strided_slice %gather3A {offsets = [14], sizes = [1], strides = [1]} : vector<16xf32> to vector<1xf32>
      %squeeze3A_666 = vector.extract %slice3A_665[0] : f32 from vector<1xf32>
      %mul3A_667 = vector.broadcast %squeeze3A_666 : f32 to vector<16xf32>
      %mul3A_668 = arith.mulf %gather3A_664, %mul3A_667 : vector<16xf32>
      %add3A_669 = arith.addf %add3A_657, %mul3A_668 : vector<16xf32>
      %mul3A_670 = arith.constant 16 : i32
      %mul3A_671 = vector.broadcast %mul3A_670 : i32 to vector<16xi32>
      %mul3A_672 = arith.muli %select_n3A_487, %mul3A_671 : vector<16xi32>
      %add3A_673 = arith.constant 15 : i32
      %add3A_674 = vector.broadcast %add3A_673 : i32 to vector<16xi32>
      %add3A_675 = arith.addi %mul3A_672, %add3A_674 : vector<16xi32>
      %gather3A_676 = tpu.vector_load_idx %arg10[%add3A_675, %and3A_481] : memref<128x128xf32, #tpu.memory_space<vmem>>[vector<16xi32>, vector<16xi32>], vector<16xf32>,
      %slice3A_677 = vector.extract_strided_slice %gather3A {offsets = [15], sizes = [1], strides = [1]} : vector<16xf32> to vector<1xf32>
      %squeeze3A_678 = vector.extract %slice3A_677[0] : f32 from vector<1xf32>
      %mul3A_679 = vector.broadcast %squeeze3A_678 : f32 to vector<16xf32>
      %mul3A_680 = arith.mulf %gather3A_676, %mul3A_679 : vector<16xf32>
      %add3A_681 = arith.addf %add3A_669, %mul3A_680 : vector<16xf32>
      %neg3A = arith.constant 0.000000e+00 : f32
      %neg3A_682 = vector.broadcast %neg3A : f32 to vector<16xf32>
      %neg3A_683 = arith.subf %neg3A_682, %add3A_681 : vector<16xf32>
      %exp3A = math.exp %neg3A_683 : vector<16xf32>
      %add3A_684 = arith.constant 1.000000e+00 : f32
      %add3A_685 = vector.broadcast %add3A_684 : f32 to vector<16xf32>
      %add3A_686 = arith.addf %add3A_685, %exp3A : vector<16xf32>
      %div3A_687 = arith.constant 1.000000e+00 : f32
      %div3A_688 = vector.broadcast %div3A_687 : f32 to vector<16xf32>
      %div3A_689 = arith.divf %div3A_688, %add3A_686 : vector<16xf32>
      %ge3A = arith.constant 5.000000e-01 : f32
      %ge3A_690 = vector.broadcast %ge3A : f32 to vector<16xf32>
      %ge3A_691 = arith.cmpf oge, %div3A_689, %ge3A_690 : vector<16xf32>
      %convert_element_type3A_692 = arith.extui %ge3A_691 : vector<16xi1> to vector<16xi32>
      %get3A_693 = arith.constant 0 : index
      %get3A_694 = tpu.vector_load %arg12[%get3A_693] {strides = array<i32>} : memref<16xi32, #tpu.memory_space<vmem>>, vector<16xi32>,
      %eq3A = arith.cmpi eq, %convert_element_type3A_692, %get3A_694 : vector<16xi32>
      %convert_element_type3A_695 = arith.extui %eq3A : vector<16xi1> to vector<16xi32>
      %swap3A = arith.constant 0 : index
      %swap3A_696 = tpu.vector_load %arg13[%swap3A] {strides = array<i32>} : memref<16xf32, #tpu.memory_space<vmem>>, vector<16xf32>,
      tpu.vector_store %arg13[%swap3A], %div3A_689 {strides = array<i32>} : memref<16xf32, #tpu.memory_space<vmem>>, vector<16xf32>,
      %swap3A_697 = arith.constant 0 : index
      %swap3A_698 = tpu.vector_load %arg14[%swap3A_697] {strides = array<i32>} : memref<16xi32, #tpu.memory_space<vmem>>, vector<16xi32>,
      tpu.vector_store %arg14[%swap3A_697], %convert_element_type3A_695 {strides = array<i32>} : memref<16xi32, #tpu.memory_space<vmem>>, vector<16xi32>,
      %run_scoped3A = arith.constant 0 : i32
      "tpu.region"() ({
        %run_scoped3A_700 = tpu.sem_alloc : memref<!tpu.dma_semaphore, #tpu.memory_space<semaphore_mem>>
        %dma_start3A_701 = arith.constant 0 : i32
        %dma_start3A_702 = tpu.memref_slice %arg13[%dma_start3A_701] : memref<16xf32, #tpu.memory_space<vmem>> -> memref<8xf32, #tpu.memory_space<vmem>>
        %dma_start3A_703 = tpu.memref_slice %arg6[%run_scoped3A, %mul3A_4] : memref<1x200xf32, #tpu.memory_space<hbm>> -> memref<1x8xf32, #tpu.memory_space<hbm>>
        %dma_start3A_704 = tpu.memref_squeeze %dma_start3A_703 : memref<1x8xf32, #tpu.memory_space<hbm>> -> memref<8xf32, #tpu.memory_space<hbm>>
        %dma_start3A_705 = tpu.memref_slice %arg6[%run_scoped3A, %mul3A_4] : memref<1x200xf32, #tpu.memory_space<hbm>> -> memref<1x8xf32, #tpu.memory_space<hbm>>
        %dma_start3A_706 = tpu.memref_squeeze %dma_start3A_705 : memref<1x8xf32, #tpu.memory_space<hbm>> -> memref<8xf32, #tpu.memory_space<hbm>>
        %dma_start3A_707 = arith.constant 0 : i32
        %dma_start3A_708 = tpu.memref_slice %arg13[%dma_start3A_707] : memref<16xf32, #tpu.memory_space<vmem>> -> memref<8xf32, #tpu.memory_space<vmem>>
        tpu.enqueue_dma source(%dma_start3A_708 : memref<8xf32, #tpu.memory_space<vmem>>) target(%dma_start3A_706 : memref<8xf32, #tpu.memory_space<hbm>>) target_semaphore(%run_scoped3A_700 : memref<!tpu.dma_semaphore, #tpu.memory_space<semaphore_mem>>)
        %dma_wait3A_709 = arith.constant 0 : i32
        %dma_wait3A_710 = tpu.memref_slice %arg13[%dma_wait3A_709] : memref<16xf32, #tpu.memory_space<vmem>> -> memref<8xf32, #tpu.memory_space<vmem>>
        %dma_wait3A_711 = tpu.memref_slice %arg6[%run_scoped3A, %mul3A_4] : memref<1x200xf32, #tpu.memory_space<hbm>> -> memref<1x8xf32, #tpu.memory_space<hbm>>
        %dma_wait3A_712 = tpu.memref_squeeze %dma_wait3A_711 : memref<1x8xf32, #tpu.memory_space<hbm>> -> memref<8xf32, #tpu.memory_space<hbm>>
        %dma_wait3A_713 = tpu.memref_slice %arg6[%run_scoped3A, %mul3A_4] : memref<1x200xf32, #tpu.memory_space<hbm>> -> memref<1x8xf32, #tpu.memory_space<hbm>>
        %dma_wait3A_714 = tpu.memref_squeeze %dma_wait3A_713 : memref<1x8xf32, #tpu.memory_space<hbm>> -> memref<8xf32, #tpu.memory_space<hbm>>
        %dma_wait3A_715 = arith.constant 0 : i32
        %dma_wait3A_716 = tpu.memref_slice %arg13[%dma_wait3A_715] : memref<16xf32, #tpu.memory_space<vmem>> -> memref<8xf32, #tpu.memory_space<vmem>>
        tpu.wait_dma2 semaphore(%run_scoped3A_700 : memref<!tpu.dma_semaphore, #tpu.memory_space<semaphore_mem>>) src(%dma_wait3A_716 : memref<8xf32, #tpu.memory_space<vmem>>) dst(%dma_wait3A_714 : memref<8xf32, #tpu.memory_space<hbm>>)
        tpu.yield
      }) : () -> ()
      %run_scoped3A_699 = arith.constant 0 : i32
      "tpu.region"() ({
        %run_scoped3A_700 = tpu.sem_alloc : memref<!tpu.dma_semaphore, #tpu.memory_space<semaphore_mem>>
        %dma_start3A_701 = arith.constant 0 : i32
        %dma_start3A_702 = tpu.memref_slice %arg14[%dma_start3A_701] : memref<16xi32, #tpu.memory_space<vmem>> -> memref<8xi32, #tpu.memory_space<vmem>>
        %dma_start3A_703 = tpu.memref_slice %arg7[%run_scoped3A_699, %mul3A_4] : memref<1x200xi32, #tpu.memory_space<hbm>> -> memref<1x8xi32, #tpu.memory_space<hbm>>
        %dma_start3A_704 = tpu.memref_squeeze %dma_start3A_703 : memref<1x8xi32, #tpu.memory_space<hbm>> -> memref<8xi32, #tpu.memory_space<hbm>>
        %dma_start3A_705 = tpu.memref_slice %arg7[%run_scoped3A_699, %mul3A_4] : memref<1x200xi32, #tpu.memory_space<hbm>> -> memref<1x8xi32, #tpu.memory_space<hbm>>
        %dma_start3A_706 = tpu.memref_squeeze %dma_start3A_705 : memref<1x8xi32, #tpu.memory_space<hbm>> -> memref<8xi32, #tpu.memory_space<hbm>>
        %dma_start3A_707 = arith.constant 0 : i32
        %dma_start3A_708 = tpu.memref_slice %arg14[%dma_start3A_707] : memref<16xi32, #tpu.memory_space<vmem>> -> memref<8xi32, #tpu.memory_space<vmem>>
        tpu.enqueue_dma source(%dma_start3A_708 : memref<8xi32, #tpu.memory_space<vmem>>) target(%dma_start3A_706 : memref<8xi32, #tpu.memory_space<hbm>>) target_semaphore(%run_scoped3A_700 : memref<!tpu.dma_semaphore, #tpu.memory_space<semaphore_mem>>)
        %dma_wait3A_709 = arith.constant 0 : i32
        %dma_wait3A_710 = tpu.memref_slice %arg14[%dma_wait3A_709] : memref<16xi32, #tpu.memory_space<vmem>> -> memref<8xi32, #tpu.memory_space<vmem>>
        %dma_wait3A_711 = tpu.memref_slice %arg7[%run_scoped3A_699, %mul3A_4] : memref<1x200xi32, #tpu.memory_space<hbm>> -> memref<1x8xi32, #tpu.memory_space<hbm>>
        %dma_wait3A_712 = tpu.memref_squeeze %dma_wait3A_711 : memref<1x8xi32, #tpu.memory_space<hbm>> -> memref<8xi32, #tpu.memory_space<hbm>>
        %dma_wait3A_713 = tpu.memref_slice %arg7[%run_scoped3A_699, %mul3A_4] : memref<1x200xi32, #tpu.memory_space<hbm>> -> memref<1x8xi32, #tpu.memory_space<hbm>>
        %dma_wait3A_714 = tpu.memref_squeeze %dma_wait3A_713 : memref<1x8xi32, #tpu.memory_space<hbm>> -> memref<8xi32, #tpu.memory_space<hbm>>
        %dma_wait3A_715 = arith.constant 0 : i32
        %dma_wait3A_716 = tpu.memref_slice %arg14[%dma_wait3A_715] : memref<16xi32, #tpu.memory_space<vmem>> -> memref<8xi32, #tpu.memory_space<vmem>>
        tpu.wait_dma2 semaphore(%run_scoped3A_700 : memref<!tpu.dma_semaphore, #tpu.memory_space<semaphore_mem>>) src(%dma_wait3A_716 : memref<8xi32, #tpu.memory_space<vmem>>) dst(%dma_wait3A_714 : memref<8xi32, #tpu.memory_space<hbm>>)
        tpu.yield
      }) : () -> ()
    } else {
    }
    return
  }
}

</mosaic_0001>

<sc_bundles>
// kernel: kernel.3.cloned.1.call-start
scs
__scs_entry_jumppad:
0x0: {  	(pc) =	sbr.rel $0x88, $3  }
0x1: {  	(tag) =	ssettag $0x0;
	lr =	simm.s32 $0x1  }
0x2: {  	[smem:$0x3F9D] =	sst lr;
	_ =	strace $0xD0000000  }
0x3: {  	_ = 	snop  }
0x4: {  	_ = 	snop  }
0x5: {  	_ = 	snop  }
0x6: {  	_ = 	snop  }
0x7: {  	_ = 	snop  }
__scs_overlays_trampoline_lowered:
0x8: {  	[smem:$0x3FAC] =	sst s0  }
0x9: {  	[smem:$0x3FAD] =	sst s1  }
0xa: {  	[smem:$0x3FAE] =	sst s2  }
0xb: {  	[smem:$0x3FAF] =	sst s3  }
0xc: {  	[smem:$0x3FB0] =	sst s4  }
0xd: {  	[smem:$0x3FB1] =	sst s5  }
0xe: {  	[smem:$0x3FB2] =	sst s6  }
0xf: {  	[smem:$0x3FB3] =	sst s7  }
0x10: {  	[smem:$0x3FB4] =	sst s8  }
0x11: {  	[smem:$0x3FB5] =	sst s9;
	s0 =	simm.s32 @!p0 $0x0  }
0x12: {  	s1 =	sld [smem:$0x3F9B];
	s0 =	simm.s32 @p0 $0x1  }
0x13: {  	[smem:$0x3FB6] =	sst s0;
	s0 =	simm.s32 @!p1 $0x0  }
0x14: {  	s2 =	sld [smem:$0x3F9A];
	s0 =	simm.s32 @p1 $0x1  }
0x15: {  	[smem:$0x3FB7] =	sst s0;
	s0 =	simm.s32 @!p2 $0x0  }
0x16: {  	s3 =	sld [smem:$0x3FDB];
	s0 =	simm.s32 @p2 $0x1  }
0x17: {  	s4 =	simm.s32 $0x1BF5;
	[smem:$0x3FB9] =	sst s0  }
0x18: {  	s0 =	sld [smem:$0x3F9C];
	_ =	swait.ge [sflag:s4], $0x0  }
0x19: {  	s7 =	sld [smem:$0x3F9D]  }
0x1a: {  	s8 =	sadd.s32 $0xFFFFE003, lr  }
0x1b: {  	s9 =	sadd.s32 $0xFFFFFEF7, lr;
	s5 =	simm.s32 $0xFFFFFFFF;
	p2 =	slt.u32 s8, $0xFFFFF086  }
0x1c: {  	p1 =	slt.u32 s9, $0xF7A;
	s5 =	simm.s32 @!p2 $0x0  }
0x1d: {  	s5 =	simm.s32 @p1 $0x1;
	p0 =	seq.s32 s7, s2  }
0x1e: {  	s7 =	smul.u32 @!p0 $0xF7A, s2;
	p2 =	seq.s32 @!p0 s5, $0x0  }
0x1f: {  	s9 =	smul.u32 $0xF7A, s1;
	s8 =	simm.s32 @!p0 $0x1BF5;
	p2 =	por !p2, p0  }
0x20: {  	[sflag:s8] =	ssyncset.s32 @!p0 $0xFFFFF086;
	s6 =	sadd.s32 @!p0 s3, s7;
	s7 =	simm.s32 @!p0 $0x108  }
0x21: {  	s3 =	sadd.s32 s3, s9;
	s6 =	sadd.s32 @!p0 $0x88, s6;
	s7 =	simm.s32 @p2 $0x1082  }
0x22: {  	[simem:s7], [sflag:s8] =	dma.local @!p0 [hbm:s6], $0xF7A  }
0x23: {  	s9 =	sor.u32 $0xD0000000, s2;
	s6 =	simm.s32 $0x108;
	_ =	swait.ge @!p0 [sflag:s8], $0x0  }
0x24: {  	s3 =	sadd.s32 $0x88, s3;
	s6 =	simm.s32 @!p1 $0x1082;
	[sflag:s4] =	ssyncset.s32 $0xFFFFF086  }
0x25: {  	[simem:s6], [sflag:s4] =	dma.local [hbm:s3], $0xF7A  }
0x26: {  	[smem:$0x3F9D] =	sst s1;
	(tag) =	ssettag s2;
	_ =	strace s9  }
0x27: {  	s1 =	sld [smem:$0x3FAD]  }
0x28: {  	s2 =	sld [smem:$0x3FAE]  }
0x29: {  	s4 =	sld [smem:$0x3FB0]  }
0x2a: {  	p0 =	seq.s32 s5, $0x0;
	s5 =	sld [smem:$0x3FB1]  }
0x2b: {  	s6 =	sld [smem:$0x3FB2]  }
0x2c: {  	s7 =	sld [smem:$0x3FB3]  }
0x2d: {  	s3 =	simm.s32 $0x108;
	s8 =	sld [smem:$0x3FB4]  }
0x2e: {  	s3 =	simm.s32 @!p0 $0x1082;
	s9 =	sld [smem:$0x3FB5]  }
0x2f: {  	lr =	sadd.s32 s0, s3;
	s0 =	sld [smem:$0x3FAC]  }
0x30: {  	s3 =	sld [smem:$0x3FAF]  }
0x31: {  	[smem:$0x3FB8] =	sst s10  }
0x32: {  	s10 =	sld [smem:$0x3FB6];
	_ =	sdelay $0x3  }
0x33: {  	p0 =	seq.s32 s10, $0x1;
	s10 =	sld [smem:$0x3FB8];
	_ =	sdelay $0x3  }
0x34: {  	[smem:$0x3FB8] =	sst s10  }
0x35: {  	s10 =	sld [smem:$0x3FB7];
	_ =	sdelay $0x3  }
0x36: {  	p1 =	seq.s32 s10, $0x1;
	s10 =	sld [smem:$0x3FB8];
	_ =	sdelay $0x3  }
0x37: {  	[smem:$0x3FB8] =	sst s10  }
0x38: {  	s10 =	sld [smem:$0x3FB9]  }
0x39: {  	_ = 	snop;
	(pc) =	sbr.ind lr, $3  }
0x3a: {  	_ = 	snop  }
0x3b: {  	_ = 	snop  }
0x3c: {  	p2 =	seq.s32 s10, $0x1;
	s10 =	sld [smem:$0x3FB8]  }
0x3d: {  	_ =	shalt  }
0x3e: {  	_ =	shalt  }
0x3f: {  	_ =	shalt  }
0x40: {  	_ =	shalt  }
0x41: {  	_ =	shalt  }
0x42: {  	_ =	shalt  }
0x43: {  	_ =	shalt  }
0x44: {  	_ =	shalt  }
0x45: {  	_ =	shalt  }
0x46: {  	_ =	shalt  }
0x47: {  	_ =	shalt  }
0x48: {  	_ =	shalt  }
0x49: {  	_ =	shalt  }
0x4a: {  	_ =	shalt  }
0x4b: {  	_ =	shalt  }
0x4c: {  	_ =	shalt  }
0x4d: {  	_ =	shalt  }
0x4e: {  	_ =	shalt  }
0x4f: {  	_ =	shalt  }
0x50: {  	_ =	shalt  }
0x51: {  	_ =	shalt  }
0x52: {  	_ =	shalt  }
0x53: {  	_ =	shalt  }
0x54: {  	_ =	shalt  }
0x55: {  	_ =	shalt  }
0x56: {  	_ =	shalt  }
0x57: {  	_ =	shalt  }
0x58: {  	_ =	shalt  }
0x59: {  	_ =	shalt  }
0x5a: {  	_ =	shalt  }
0x5b: {  	_ =	shalt  }
0x5c: {  	_ =	shalt  }
0x5d: {  	_ =	shalt  }
0x5e: {  	_ =	shalt  }
0x5f: {  	_ =	shalt  }
0x60: {  	_ =	shalt  }
0x61: {  	_ =	shalt  }
0x62: {  	_ =	shalt  }
0x63: {  	_ =	shalt  }
0x64: {  	_ =	shalt  }
0x65: {  	_ =	shalt  }
0x66: {  	_ =	shalt  }
0x67: {  	_ =	shalt  }
0x68: {  	_ =	shalt  }
0x69: {  	_ =	shalt  }
0x6a: {  	_ =	shalt  }
0x6b: {  	_ =	shalt  }
0x6c: {  	_ =	shalt  }
0x6d: {  	_ =	shalt  }
0x6e: {  	_ =	shalt  }
0x6f: {  	_ =	shalt  }
0x70: {  	_ =	shalt  }
0x71: {  	_ =	shalt  }
0x72: {  	_ =	shalt  }
0x73: {  	_ =	shalt  }
0x74: {  	_ =	shalt  }
0x75: {  	_ =	shalt  }
0x76: {  	_ =	shalt  }
0x77: {  	_ =	shalt  }
0x78: {  	_ =	shalt  }
0x79: {  	_ =	shalt  }
0x7a: {  	_ =	shalt  }
0x7b: {  	_ =	shalt  }
0x7c: {  	_ =	shalt  }
0x7d: {  	_ =	shalt  }
0x7e: {  	_ =	shalt  }
0x7f: {  	_ =	shalt  }
0x80: {  	_ =	shalt  }
0x81: {  	_ =	shalt  }
0x82: {  	_ =	shalt  }
0x83: {  	_ =	shalt  }
0x84: {  	_ =	shalt  }
0x85: {  	_ =	shalt  }
0x86: {  	_ =	shalt  }
0x87: {  	_ =	shalt  }
.Lfunc_end0:
.L_simem_size_0:
called_computation_lowered:
.L_overlay_start_0:
0x88: {  	s2 =	sld [smem:$0x3FD9]  }
0x89: {  	s3 =	sld [smem:$0x3FFE];
	_ =	sdelay $0x1  }
0x8a: {  	s1 =	srdreg.scid  }
0x8b: {  	s0 =	sand.u32 $0x1, s1  }
0x8c: {  	s15 =	sshll.u32 s0, $0xA;
	s2 =	sadd.s32 s3, s2  }
0x8d: {  	s2 =	sadd.s32 s2, s15  }
0x8e: {  	[smem:$0x3FC4] =	sst s2  }
0x8f: {  	_ = 	snop  }
0x90: {  	s2 =	sld [smem:$0x3FC9]  }
0x91: {  	s16 =	sld [smem:$0x3FD0]  }
0x92: {  	s4 =	sld [smem:$0x3FC8]  }
0x93: {  	s5 =	sld [smem:$0x3FC7]  }
0x94: {  	s7 =	simm.s32 $0xA;
	s8 =	simm.s32 $0x10;
	s6 =	sld [smem:$0x3FC6]  }
0x95: {  	[smem:s8], [sflag:s7] =	dma.local [hbm:s16], $0x1  }
0x96: {  	_ =	swait.eq [sflag:s7], $0x1  }
0x97: {  	[sflag:s7] =	ssyncset.done $0x0  }
0x98: {  	s17 =	sld [smem:$0x10];
	[sflag:s7] =	ssyncadd.s32 $0xFFFFFFFF  }
0x99: {  	s18 =	sld [smem:$0x11];
	(tm) =	ssettm $0x1  }
0x9a: {  	s19 =	sld [smem:$0x3FFB];
	_ =	sdelay $0x3  }
0x9b: {  	_ =	strace s19  }
0x9c: {  	s8 =	sld [smem:$0x3FFC];
	_ =	sdelay $0x3  }
0x9d: {  	_ =	strace s8  }
0x9e: {  	s8 =	sld [smem:$0x3FFD];
	_ =	sdelay $0x3  }
0x9f: {  	_ =	strace s8  }
0xa0: {  	_ =	strace $0x8FFFFFFF  }
0xa1: {  	s20 =	sld [smem:$0x3FDB];
	_ =	sdelay $0x1  }
0xa2: {  	s9 =	simm.s32 $_scs_section_size  }
0xa3: {  	s10 =	simm.s32 $_size__tile_overlayer_lowered;
	s11 =	simm.s32 $_tile_overlayer_lowered  }
0xa4: {  	s23 =	simm.s32 $0x1BFF;
	s22 =	sshll.u32 s11, $0x1;
	s8 =	sadd.s32 s9, s20  }
0xa5: {  	s12 =	simm.s32 $0x0;
	s21 =	sshll.u32 s10, $0x1;
	s10 =	sadd.s32 s22, s8  }
0xa6: {  	[timem:s12], [sflag:s23] =	dma.local [hbm:s10], s21  }
0xa7: {  	_ =	swait.ge [sflag:s23], s21  }
0xa8: {  	s9 =	ssub.s32 $0x0, s21;
	[sflag:s23] =	ssyncset.done $0x0  }
0xa9: {  	[sflag:s23] =	ssyncadd.s32 s9;
	_ =	sdelay $0x1  }
0xaa: {  	s24 =	simm.s32 $0x1B8B  }
0xab: {  	_ =	swait.ge [sflag:s24], $0x1  }
0xac: {  	[sflag:s24] =	ssyncset.done $0x0  }
0xad: {  	s25 =	simm.s32 $0x1B8E;
	[sflag:s24] =	ssyncadd.s32 $0xFFFFFFFF  }
0xae: {  	s26 =	simm.s32 $execute0_lowered;
	[smem:$0x3FD2] =	sst s25  }
0xaf: {  	s9 =	sshll.u32 s26, $0x1;
	_ =	strace $0x80000046;
	[dreg:$0x1] =	wrdreg $0xFFFFFFFF  }
0xb0: {  	s28 =	simm.s32 $_size_execute0_lowered;
	s8 =	sadd.s32 s8, s9;
	[dreg:$0x0] =	wrdreg $0x0  }
0xb1: {  	s9 =	sshll.u32 s28, $0x1;
	[dreg:$0x2] =	wrdreg s8  }
0xb2: {  	[dreg:$0x3] =	wrdreg s9  }
0xb3: {  	[dreg:$0x4] =	wrdreg $0xC0  }
0xb4: {  	_ =	task [dreg:s12], $0x5FFFF  }
0xb5: {  	[dreg:$0x1] =	wrdreg $0xFFFFFFFF  }
0xb6: {  	[dreg:$0x0] =	wrdreg $0x60  }
0xb7: {  	[dreg:$0x2] =	wrdreg s2  }
0xb8: {  	[dreg:$0x3] =	wrdreg s4  }
0xb9: {  	[dreg:$0x4] =	wrdreg s5  }
0xba: {  	[dreg:$0x5] =	wrdreg s6  }
0xbb: {  	[dreg:$0x6] =	wrdreg s17  }
0xbc: {  	[dreg:$0x7] =	wrdreg s18  }
0xbd: {  	[dreg:$0x8] =	wrdreg $0x9  }
0xbe: {  	_ =	task.clear_ibuf [dreg:s12], $0x9FFFF;
	_ =	strace $0x90000046  }
0xbf: {  	s29 =	simm.s32 $0x9;
	_ =	strace $0x80000048  }
0xc0: {  	_ =	swait.ge [sflag:s29], $0x1  }
0xc1: {  	[sflag:s29] =	ssyncadd.s32 $0xFFFFFFFF  }
0xc2: {  	_ =	strace $0x90000048  }
0xc3: {  	_ =	sfence  }
0xc4: {  	s30 =	sld [smem:$0x0];
	_ =	sdelay $0x2  }
0xc5: {  	s31 =	sshll.u32 s1, $0xD;
	s1 =	sshrl.u32 s1, $0x2  }
0xc6: {  	s3 =	sand.u32 $0x4000, s31;
	s1 =	sadd.s32 s1, s30  }
0xc7: {  	s0 =	sor.u32 s3, s0;
	s1 =	sshll.u32 s1, $0x11  }
0xc8: {  	s0 =	sor.u32 s1, s0  }
0xc9: {  	s0 =	sadd.s32 $0x8F2B, s0  }
0xca: {  	[sflag:s0] =	ssyncadd.remote.s32 $0x1  }
0xcb: {  	_ =	sfence.sel $0xFFFF  }
0xcc: {  	[dreg:$0x0] =	wrdreg $0xFFFFFFFF;
	(pc) =	sbr.abs _section_cstart, $3  }
0xcd: {  	[dreg:$0x1] =	wrdreg $0xFFFFFFFF  }
0xce: {  	_ =	task.clear_ibuf [dreg:s12], $0x2FFFF;
	_ =	strace $0x9FFFFFFF  }
0xcf: {  	(tm) =	ssettm $0x7FFFFFFF  }
tec
execute0_lowered:
.L_overlay_start_1:
0x0: {  	(tag) =	ssettag $0x1  }
0x1: {  	s0 =	rddreg [dreg:$0x2];
	s1 =	srdreg.scid  }
0x2: {  	[dreg:$0x7] =	wrdreg s0;
	s0 =	stileid.u32  }
0x3: {  	s10 =	sand.u32 $0x1, s1;
	s6 =	sshll.u32 s0, $0x1  }
0x4: {  	s3 =	rddreg [dreg:$0x0];
	s6 =	sor.u32 s10, s6  }
0x5: {  	s5 =	rddreg [dreg:$0x1];
	p0 =	sgt.u32 s6, $0x18  }
.Ltmp0:
0x6: {  	s4 =	rddreg [dreg:$0x3];
	(pc) =	sbr.rel @p0 .LBB2_4-.Ltmp0, $4  }
0x7: {  	s7 =	rddreg [dreg:$0x4]  }
0x8: {  	s8 =	rddreg [dreg:$0x5];
	s2 =	simm.s32 $0x0  }
0x9: {  	[smem:$0x7FF] =	sst s2  }
0xa: {  	s1 =	rddreg [dreg:$0x6];
	_ =	strace $0x80000047  }
0xb: {  	s7 =	sadd.s32 s7, s6  }
0xc: {  	s21 =	sadd.s32 s8, s6;
	[dreg:$0x8] =	wrdreg s7  }
0xd: {  	s5 =	sadd.s32 s5, s6;
	[dreg:$0x9] =	wrdreg s21  }
0xe: {  	s26 =	simm.s32 $0x80;
	[dreg:$0xb] =	wrdreg s5  }
0xf: {  	s28 =	simm.s32 $0x4900;
	[dreg:$0xc] =	wrdreg s26  }
0x10: {  	s29 =	simm.s32 $0x900;
	[dreg:$0xd] =	wrdreg s28  }
0x11: {  	s30 =	simm.s32 $0x1100;
	[dreg:$0xe] =	wrdreg s29  }
0x12: {  	s31 =	simm.s32 $0x1900;
	[dreg:$0xf] =	wrdreg s30  }
0x13: {  	s1 =	simm.s32 $0x2100;
	[dreg:$0x10] =	wrdreg s31  }
0x14: {  	s24 =	sor.u32 $0x10, s6;
	s6 =	simm.s32 $0x2900;
	[dreg:$0x11] =	wrdreg s1  }
0x15: {  	s8 =	simm.s32 $0x3900;
	[dreg:$0x12] =	wrdreg s6  }
0x16: {  	s9 =	simm.s32 $0x4980;
	[dreg:$0x14] =	wrdreg s8  }
0x17: {  	s22 =	sshll.u32 s0, $0x2;
	s14 =	simm.s32 $0x4A00;
	[dreg:$0x15] =	wrdreg s9  }
0x18: {  	s23 =	sand.u32 $0x20, s22;
	[dreg:$0x16] =	wrdreg s14  }
0x19: {  	s7 =	sadd.s32 s3, s23;
	s12 =	rddreg [dreg:$0xd]  }
0x1a: {  	s13 =	rddreg [dreg:$0xc];
	s25 =	sadd.s32 s24, s7  }
0x1b: {  	[dreg:$0xa] =	wrdreg s25  }
0x1c: {  	s11 =	rddreg [dreg:$0xa]  }
0x1d: {  	[tilespmem:s2], [sflag:$0x1] =	stream.linear.gather [hbm4b:s11+s2], $0x8, $0x38;
	[tilespmem:$0x4A80] =	vst v63  }
0x1e: {  	s9 =	rddreg [dreg:$0xb];
	s7 =	simm.s32 $0x3100  }
0x1f: {  	[tilespmem:s13], [sflag:$0x1] =	stream.linear.gather [hbm4b:s3+s2], $0x8, $0x38;
	[tilespmem:$0x4A80] =	vst v63  }
0x20: {  	s5 =	simm.s32 $0x1;
	[dreg:$0x13] =	wrdreg s7  }
0x21: {  	[tilespmem:s12], [sflag:$0x1] =	stream.linear.gather [hbm4b:s9+s2], $0x8, $0x38;
	[tilespmem:$0x4A80] =	vst v63  }
0x22: {  	_ =	swait.ge [sflag:s5], $0x8  }
0x23: {  	[sflag:s5] =	ssyncset.done $0x0  }
0x24: {  	[sflag:s5] =	ssyncadd.s32 $0xFFFFFFF8  }
0x25: {  	_ =	swait.ge [sflag:s5], $0x8  }
0x26: {  	[sflag:s5] =	ssyncset.done $0x0  }
0x27: {  	[sflag:s5] =	ssyncadd.s32 $0xFFFFFFF8  }
0x28: {  	_ =	swait.ge [sflag:s5], $0x8  }
0x29: {  	[sflag:s5] =	ssyncset.done $0x0  }
0x2a: {  	[sflag:s5] =	ssyncadd.s32 $0xFFFFFFF8  }
0x2b: {  	v0 =	vld [tilespmem:$0x80];
	_ =	sdelay $0x1  }
0x2c: {  	v11 =	vld [tilespmem:$0x0];
	_ =	sdelay $0x2  }
0x2d: {  	(v2sf) =	vpush v0, $0x0;
	_ =	sdelay $0x1  }
0x2e: {  	(v2sf) =	vpush v11, $0x4  }
0x2f: {  	(v2sf) =	vpush v11, $0x3;
	_ =	sdelay $0x1  }
0x30: {  	(v2sf) =	vpush v11, $0x0  }
0x31: {  	(v2sf) =	vpush v11, $0x1;
	_ =	sdelay $0x8  }
0x32: {  	s15 =	spop (v2sf)  }
0x33: {  	s6 =	simm.s32 $0x400;
	s20 =	rddreg [dreg:$0x7];
	s16 =	sshra.s32 s15, $0x1F  }
0x34: {  	s11 =	sand.u32 $0x7F, s15;
	p0 =	slt.s32 s15, $0x1;
	s12 =	spop (v2sf)  }
0x35: {  	p1 =	sne.s32 s11, $0x0;
	s8 =	sshrl.u32 s16, $0x19;
	s13 =	spop (v2sf)  }
0x36: {  	p0 =	por !p0, !p1;
	s7 =	sadd.s32 s8, s15;
	s8 =	simm.s32 $0x1  }
0x37: {  	s17 =	spop (v2sf);
	p0 =	por !p0, !p0;
	s7 =	sshrl.u32 s7, $0x7  }
0x38: {  	s14 =	spop (v2sf);
	s15 =	sand.u32 $0x7F, s17;
	s18 =	sshra.s32 s17, $0x1F  }
0x39: {  	p2 =	slt.s32 s17, $0x1;
	s8 =	simm.s32 @!p0 $0x0;
	p5 =	sne.s32 s15, $0x0  }
0x3a: {  	s19 =	sand.u32 $0x7F, s14;
	s21 =	sshra.s32 s14, $0x1F;
	p3 =	slt.s32 s14, $0x1  }
0x3b: {  	(v2sf) =	vpush v11, $0x2;
	s7 =	ssub.s32 s7, s8;
	p6 =	sne.s32 s19, $0x0;
	s8 =	sshrl.u32 s18, $0x19  }
0x3c: {  	s9 =	sshrl.u32 s21, $0x19;
	p1 =	por !p2, !p5;
	s8 =	sadd.s32 s8, s17  }
0x3d: {  	s9 =	sadd.s32 s9, s14;
	p1 =	por !p1, !p1;
	s14 =	simm.s32 $0x1  }
0x3e: {  	s16 =	sshll.u32 s7, $0x7;
	s7 =	simm.s32 $0x7A1400;
	p0 =	por !p3, !p6  }
0x3f: {  	s22 =	sshrl.u32 s8, $0x7;
	s14 =	simm.s32 @!p1 $0x0;
	s23 =	sand.u32 $0x1FFFFF80, s16  }
0x40: {  	s8 =	simm.s32 $0x4100;
	s14 =	ssub.s32 s22, s14;
	s15 =	sadd.s32 s20, s23  }
0x41: {  	[tilespmem:s8], [sflag:$0x1] =	stream.strided.gather [hbm4b:s15+s6], $0x800, s7, s6, $0x38;
	[tilespmem:$0x4A80] =	vst v63  }
0x42: {  	p0 =	por !p0, !p0;
	s14 =	sshll.u32 s14, $0x7;
	s15 =	simm.s32 $0x1  }
0x43: {  	s9 =	sshrl.u32 s9, $0x7;
	s15 =	simm.s32 @!p0 $0x0;
	s14 =	sand.u32 $0x1FFFFF80, s14  }
0x44: {  	s15 =	ssub.s32 s9, s15;
	s9 =	simm.s32 $0x100;
	s14 =	sadd.s32 s4, s14  }
0x45: {  	[tilespmem:s9], [sflag:$0x1] =	stream.strided.gather [hbm4b:s14+s6], $0x800, s7, s6, $0x38;
	[tilespmem:$0x4A80] =	vst v63  }
0x46: {  	s15 =	sshll.u32 s15, $0x7  }
0x47: {  	s15 =	sand.u32 $0x1FFFFF80, s15  }
0x48: {  	s24 =	rddreg [dreg:$0xe];
	s15 =	sadd.s32 s4, s15  }
0x49: {  	[tilespmem:s24], [sflag:$0x1] =	stream.strided.gather [hbm4b:s15+s6], $0x800, s7, s6, $0x38;
	[tilespmem:$0x4A80] =	vst v63  }
0x4a: {  	s25 =	spop (v2sf)  }
0x4b: {  	s26 =	sand.u32 $0x7F, s25  }
0x4c: {  	p1 =	slt.s32 s25, $0x1;
	s28 =	sshra.s32 s25, $0x1F;
	p2 =	sne.s32 s26, $0x0  }
0x4d: {  	s15 =	sshrl.u32 s28, $0x19;
	p0 =	por !p1, !p2  }
0x4e: {  	s14 =	sadd.s32 s15, s25;
	s15 =	simm.s32 $0x1;
	p0 =	por !p0, !p0  }
0x4f: {  	s14 =	sshrl.u32 s14, $0x7;
	s15 =	simm.s32 @!p0 $0x0  }
0x50: {  	(v2sf) =	vpush v11, $0x5;
	s14 =	ssub.s32 s14, s15  }
0x51: {  	s29 =	rddreg [dreg:$0xf];
	s14 =	sshll.u32 s14, $0x7  }
0x52: {  	s30 =	sand.u32 $0x7F, s13;
	s31 =	sshra.s32 s13, $0x1F;
	s14 =	sand.u32 $0x1FFFFF80, s14  }
0x53: {  	p4 =	slt.s32 s13, $0x1;
	p3 =	sne.s32 s30, $0x0;
	s14 =	sadd.s32 s4, s14  }
0x54: {  	[tilespmem:s29], [sflag:$0x1] =	stream.strided.gather [hbm4b:s14+s6], $0x800, s7, s6, $0x38;
	[tilespmem:$0x4A80] =	vst v63  }
0x55: {  	p0 =	por !p4, !p3;
	s14 =	sshrl.u32 s31, $0x19  }
0x56: {  	p0 =	por !p0, !p0;
	s13 =	sadd.s32 s14, s13;
	s14 =	simm.s32 $0x1  }
0x57: {  	s13 =	sshrl.u32 s13, $0x7;
	s14 =	simm.s32 @!p0 $0x0  }
0x58: {  	(v2sf) =	vpush v11, $0x6;
	s13 =	ssub.s32 s13, s14  }
0x59: {  	s1 =	rddreg [dreg:$0x10];
	s13 =	sshll.u32 s13, $0x7  }
0x5a: {  	p6 =	slt.s32 s12, $0x1;
	s15 =	sand.u32 $0x7F, s12;
	s13 =	sand.u32 $0x1FFFFF80, s13  }
0x5b: {  	s16 =	sshra.s32 s12, $0x1F;
	p5 =	sne.s32 s15, $0x0;
	s13 =	sadd.s32 s4, s13  }
0x5c: {  	[tilespmem:s1], [sflag:$0x1] =	stream.strided.gather [hbm4b:s13+s6], $0x800, s7, s6, $0x38;
	[tilespmem:$0x4A80] =	vst v63  }
0x5d: {  	p0 =	por !p6, !p5;
	s13 =	sshrl.u32 s16, $0x19  }
0x5e: {  	p0 =	por !p0, !p0;
	s12 =	sadd.s32 s13, s12;
	s13 =	simm.s32 $0x1  }
0x5f: {  	s18 =	spop (v2sf);
	(v2sf) =	vpush v11, $0x7;
	s12 =	sshrl.u32 s12, $0x7;
	s13 =	simm.s32 @!p0 $0x0  }
0x60: {  	s17 =	rddreg [dreg:$0x11];
	s12 =	ssub.s32 s12, s13  }
0x61: {  	s19 =	sand.u32 $0x7F, s18;
	s20 =	sshra.s32 s18, $0x1F;
	s12 =	sshll.u32 s12, $0x7  }
0x62: {  	p1 =	sne.s32 s19, $0x0;
	p2 =	slt.s32 s18, $0x1;
	s12 =	sand.u32 $0x1FFFFF80, s12  }
0x63: {  	p0 =	por !p2, !p1;
	s13 =	sshrl.u32 s20, $0x19;
	s12 =	sadd.s32 s4, s12  }
0x64: {  	[tilespmem:s17], [sflag:$0x1] =	stream.strided.gather [hbm4b:s12+s6], $0x800, s7, s6, $0x38;
	[tilespmem:$0x4A80] =	vst v63  }
0x65: {  	p0 =	por !p0, !p0;
	s12 =	sadd.s32 s13, s18;
	s13 =	simm.s32 $0x1  }
0x66: {  	s12 =	sshrl.u32 s12, $0x7;
	s13 =	simm.s32 @!p0 $0x0  }
0x67: {  	s21 =	rddreg [dreg:$0x12];
	s22 =	spop (v2sf);
	s12 =	ssub.s32 s12, s13  }
0x68: {  	s23 =	sand.u32 $0x7F, s22;
	p3 =	slt.s32 s22, $0x1;
	s12 =	sshll.u32 s12, $0x7  }
0x69: {  	s24 =	sshra.s32 s22, $0x1F;
	p4 =	sne.s32 s23, $0x0;
	s12 =	sand.u32 $0x1FFFFF80, s12  }
0x6a: {  	p0 =	por !p3, !p4;
	s13 =	sshrl.u32 s24, $0x19;
	s12 =	sadd.s32 s4, s12  }
0x6b: {  	[tilespmem:s21], [sflag:$0x1] =	stream.strided.gather [hbm4b:s12+s6], $0x800, s7, s6, $0x38;
	[tilespmem:$0x4A80] =	vst v63  }
0x6c: {  	p0 =	por !p0, !p0;
	s12 =	sadd.s32 s13, s22;
	s13 =	simm.s32 $0x1  }
0x6d: {  	s12 =	sshrl.u32 s12, $0x7;
	s13 =	simm.s32 @!p0 $0x0  }
0x6e: {  	s25 =	rddreg [dreg:$0x13];
	s26 =	spop (v2sf);
	s12 =	ssub.s32 s12, s13  }
0x6f: {  	s28 =	sand.u32 $0x7F, s26;
	s29 =	sshra.s32 s26, $0x1F;
	s12 =	sshll.u32 s12, $0x7  }
0x70: {  	p6 =	slt.s32 s26, $0x1;
	p5 =	sne.s32 s28, $0x0;
	s12 =	sand.u32 $0x1FFFFF80, s12  }
0x71: {  	vm7 =	vcmask $0x704;
	vm0 =	vmmov $0xff;
	p0 =	por !p6, !p5;
	s13 =	sshrl.u32 s29, $0x19;
	s12 =	sadd.s32 s4, s12  }
0x72: {  	vm6 =	vcmask $0xB08;
	v2 =	vlaneseq.u32;
	vm5 =	vcmask $0xF0C;
	[tilespmem:s25], [sflag:$0x1] =	stream.strided.gather [hbm4b:s12+s6], $0x800, s7, s6, $0x38;
	[tilespmem:$0x4A80] =	vst v63  }
0x73: {  	vm4 =	vcmask $0x1310;
	vm3 =	vcmask $0x1714;
	vm2 =	vcmask $0x1B18;
	p0 =	por !p0, !p0;
	s12 =	sadd.s32 s13, s26;
	s13 =	simm.s32 $0x1  }
0x74: {  	vm1 =	vcmask $0x1F1C;
	v4 =	vimm.s32 $0x100;
	v5 =	vimm.s32 $0x180;
	s12 =	sshrl.u32 s12, $0x7;
	s13 =	simm.s32 @!p0 $0x0  }
0x75: {  	v6 =	vimm.s32 $0x200;
	v7 =	vimm.s32 $0x280;
	v8 =	vimm.s32 $0x300;
	s12 =	ssub.s32 s12, s13  }
0x76: {  	v9 =	vimm.s32 $0x380;
	v10 =	vimm.s32 $0x400;
	v12 =	vimm.s32 $0x480;
	s12 =	sshll.u32 s12, $0x7  }
0x77: {  	v13 =	vimm.s32 $0x500;
	v15 =	vimm.s32 $0x580;
	v63 =	vimm.s32 $0x700;
	s12 =	sand.u32 $0x1FFFFF80, s12  }
0x78: {  	v33 =	vimm.s32 $0x780;
	v4 =	vsel vm7, $0x900, v4;
	v5 =	vsel vm7, $0x980, v5;
	s30 =	rddreg [dreg:$0x14];
	s12 =	sadd.s32 s4, s12  }
0x79: {  	v6 =	vsel vm7, $0xA00, v6;
	v7 =	vsel vm7, $0xA80, v7;
	v8 =	vsel vm7, $0xB00, v8;
	[tilespmem:s30], [sflag:$0x1] =	stream.strided.gather [hbm4b:s12+s6], $0x800, s7, s6, $0x38;
	[tilespmem:$0x4A80] =	vst v63  }
0x7a: {  	v9 =	vsel vm7, $0xB80, v9;
	v10 =	vsel vm7, $0xC00, v10;
	v12 =	vsel vm7, $0xC80, v12;
	_ =	swait.ge [sflag:s5], $0x800  }
0x7b: {  	v13 =	vsel vm7, $0xD00, v13;
	v15 =	vsel vm7, $0xD80, v15;
	v32 =	vsel vm7, $0xF00, v63;
	[sflag:s5] =	ssyncset.done $0x0  }
0x7c: {  	v35 =	vsel vm7, $0xF80, v33;
	v4 =	vsel vm6, $0x1100, v4;
	v5 =	vsel vm6, $0x1180, v5;
	[sflag:s5] =	ssyncadd.s32 $0xFFFFF800  }
0x7d: {  	v6 =	vsel vm6, $0x1200, v6;
	v7 =	vsel vm6, $0x1280, v7;
	v8 =	vsel vm6, $0x1300, v8;
	_ =	swait.ge [sflag:s5], $0x800  }
0x7e: {  	v9 =	vsel vm6, $0x1380, v9;
	v10 =	vsel vm6, $0x1400, v10;
	v12 =	vsel vm6, $0x1480, v12;
	[sflag:s5] =	ssyncset.done $0x0  }
0x7f: {  	v13 =	vsel vm6, $0x1500, v13;
	v4 =	vsel vm5, $0x1900, v4;
	v5 =	vsel vm5, $0x1980, v5;
	[sflag:s5] =	ssyncadd.s32 $0xFFFFF800  }
0x80: {  	v6 =	vsel vm5, $0x1A00, v6;
	v7 =	vsel vm5, $0x1A80, v7;
	v8 =	vsel vm5, $0x1B00, v8;
	_ =	swait.ge [sflag:s5], $0x800  }
0x81: {  	v9 =	vsel vm5, $0x1B80, v9;
	v10 =	vsel vm5, $0x1C00, v10;
	v12 =	vsel vm5, $0x1C80, v12;
	[sflag:s5] =	ssyncset.done $0x0  }
0x82: {  	v13 =	vsel vm5, $0x1D00, v13;
	v4 =	vsel vm4, $0x2100, v4;
	v5 =	vsel vm4, $0x2180, v5;
	[sflag:s5] =	ssyncadd.s32 $0xFFFFF800  }
0x83: {  	v6 =	vsel vm4, $0x2200, v6;
	v7 =	vsel vm4, $0x2280, v7;
	v8 =	vsel vm4, $0x2300, v8;
	_ =	swait.ge [sflag:s5], $0x800  }
0x84: {  	v9 =	vsel vm4, $0x2380, v9;
	v10 =	vsel vm4, $0x2400, v10;
	v12 =	vsel vm4, $0x2480, v12;
	[sflag:s5] =	ssyncset.done $0x0  }
0x85: {  	v13 =	vsel vm4, $0x2500, v13;
	v4 =	vsel vm3, $0x2900, v4;
	v5 =	vsel vm3, $0x2980, v5;
	[sflag:s5] =	ssyncadd.s32 $0xFFFFF800  }
0x86: {  	v6 =	vsel vm3, $0x2A00, v6;
	v7 =	vsel vm3, $0x2A80, v7;
	v8 =	vsel vm3, $0x2B00, v8;
	_ =	swait.ge [sflag:s5], $0x800  }
0x87: {  	v9 =	vsel vm3, $0x2B80, v9;
	v10 =	vsel vm3, $0x2C00, v10;
	v12 =	vsel vm3, $0x2C80, v12;
	[sflag:s5] =	ssyncset.done $0x0  }
0x88: {  	v13 =	vsel vm3, $0x2D00, v13;
	v4 =	vsel vm2, $0x3100, v4;
	v5 =	vsel vm2, $0x3180, v5;
	[sflag:s5] =	ssyncadd.s32 $0xFFFFF800  }
0x89: {  	v6 =	vsel vm2, $0x3200, v6;
	v7 =	vsel vm2, $0x3280, v7;
	v0 =	vimm.s32 $0x0;
	_ =	swait.ge [sflag:s5], $0x800  }
0x8a: {  	v8 =	vsel vm2, $0x3300, v8;
	v9 =	vsel vm2, $0x3380, v9;
	v1 =	vsel vm7, $0x800, v0;
	[sflag:s5] =	ssyncset.done $0x0  }
0x8b: {  	v10 =	vsel vm2, $0x3400, v10;
	v12 =	vsel vm2, $0x3480, v12;
	v3 =	vsel vm6, $0x1000, v1;
	[sflag:s5] =	ssyncadd.s32 $0xFFFFF800  }
0x8c: {  	v1 =	vmul.u32 $0x80, v2;
	v2 =	vsel vm5, $0x1800, v3;
	v3 =	vimm.s32 $0x80;
	_ =	swait.ge [sflag:s5], $0x800  }
0x8d: {  	v4 =	vsel vm1, $0x3900, v4;
	v2 =	vsel vm4, $0x2000, v2;
	v3 =	vsel vm7, $0x880, v3;
	[sflag:s5] =	ssyncset.done $0x0  }
0x8e: {  	v5 =	vsel vm1, $0x3980, v5;
	v2 =	vsel vm3, $0x2800, v2;
	v3 =	vsel vm6, $0x1080, v3;
	[sflag:s5] =	ssyncadd.s32 $0xFFFFF800  }
0x8f: {  	v6 =	vsel vm1, $0x3A00, v6;
	v2 =	vsel vm2, $0x3000, v2;
	v3 =	vsel vm5, $0x1880, v3;
	_ =	swait.ge [sflag:s5], $0x800  }
0x90: {  	v3 =	vsel vm4, $0x2080, v3;
	v14 =	vor.u32 s11, v1;
	v11 =	vnsel vm0, $0x0, v11;
	[sflag:s5] =	ssyncset.done $0x0  }
0x91: {  	v2 =	vsel vm1, $0x3800, v2;
	v3 =	vsel vm3, $0x2880, v3;
	v18 =	vand.u32 $0x7F, v11;
	[sflag:s5] =	ssyncadd.s32 $0xFFFFF800  }
0x92: {  	v7 =	vsel vm1, $0x3A80, v7;
	v3 =	vsel vm2, $0x3080, v3;
	v16 =	vor.u32 v2, v18;
	_ =	swait.ge [sflag:s5], $0x800  }
0x93: {  	v8 =	vsel vm1, $0x3B00, v8;
	v9 =	vsel vm1, $0x3B80, v9;
	v3 =	vsel vm1, $0x3880, v3;
	[sflag:s5] =	ssyncset.done $0x0  }
0x94: {  	v10 =	vsel vm1, $0x3C00, v10;
	v11 =	vsel vm1, $0x3C80, v12;
	v17 =	vor.u32 v3, v18;
	[sflag:s5] =	ssyncadd.s32 $0xFFFFF800  }
0x95: {  	v12 =	vsel vm2, $0x3500, v13;
	v13 =	vsel vm6, $0x1580, v15;
	v15 =	vimm.s32 $0x600;
	v19 =	vld.idx.msk [tilespmem:v14+s8+$0x0], $0xffff  }
0x96: {  	v13 =	vsel vm5, $0x1D80, v13;
	v12 =	vsel vm1, $0x3D00, v12;
	v20 =	vor.u32 v4, v18  }
0x97: {  	v15 =	vsel vm7, $0xE00, v15;
	v21 =	vor.u32 v5, v18;
	v22 =	vor.u32 v6, v18;
	v16 =	vld.idx.msk [tilespmem:v16+s9+$0x0], $0xffff  }
0x98: {  	v25 =	vor.u32 v7, v18;
	v26 =	vor.u32 v8, v18;
	v28 =	vor.u32 v9, v18  }
0x99: {  	v29 =	vor.u32 v10, v18;
	v37 =	vor.u32 v11, v18;
	v13 =	vsel vm4, $0x2580, v13;
	v17 =	vld.idx.msk [tilespmem:v17+s9+$0x0], $0xffff  }
0x9a: {  	v40 =	vor.u32 v12, v18;
	v14 =	vsel vm6, $0x1600, v15;
	v23 =	vbroadcast v19, $0x0  }
0x9b: {  	v13 =	vsel vm3, $0x2D80, v13;
	v15 =	vimm.s32 $0x680;
	v20 =	vld.idx.msk [tilespmem:v20+s9+$0x0], $0xffff;
	v14 =	vsel vm5, $0x1E00, v14  }
0x9c: {  	v15 =	vsel vm7, $0xE80, v15;
	v24 =	vbroadcast v19, $0x1;
	v16 =	vmul.f32 v23, v16  }
0x9d: {  	v13 =	vsel vm2, $0x3580, v13;
	v21 =	vld.idx.msk [tilespmem:v21+s9+$0x0], $0xffff;
	v14 =	vsel vm4, $0x2600, v14;
	v15 =	vsel vm6, $0x1680, v15  }
0x9e: {  	v62 =	vbroadcast v19, $0x2;
	v17 =	vmul.f32 v17, v24;
	v16 =	vadd.f32 $0.0e+00, v16  }
0x9f: {  	v13 =	vsel vm1, $0x3D80, v13;
	v22 =	vld.idx.msk [tilespmem:v22+s9+$0x0], $0xffff;
	v14 =	vsel vm3, $0x2E00, v14;
	v15 =	vsel vm5, $0x1E80, v15  }
0xa0: {  	v27 =	vbroadcast v19, $0x3;
	v16 =	vadd.f32 v17, v16;
	v17 =	vmul.f32 v20, v62  }
0xa1: {  	v43 =	vor.u32 v13, v18;
	v25 =	vld.idx.msk [tilespmem:v25+s9+$0x0], $0xffff;
	v15 =	vsel vm4, $0x2680, v15;
	v14 =	vsel vm2, $0x3600, v14  }
0xa2: {  	v34 =	vbroadcast v19, $0x4;
	v16 =	vadd.f32 v17, v16;
	v17 =	vmul.f32 v21, v27  }
0xa3: {  	v26 =	vld.idx.msk [tilespmem:v26+s9+$0x0], $0xffff;
	v15 =	vsel vm3, $0x2E80, v15;
	v36 =	vbroadcast v19, $0x5;
	v38 =	vbroadcast v19, $0x6  }
0xa4: {  	v41 =	vbroadcast v19, $0x7;
	v16 =	vadd.f32 v17, v16;
	v17 =	vmul.f32 v22, v34  }
0xa5: {  	v39 =	vld.idx.msk [tilespmem:v28+s9+$0x0], $0xffff;
	v14 =	vsel vm1, $0x3E00, v14;
	v44 =	vbroadcast v19, $0x8;
	v47 =	vbroadcast v19, $0x9  }
0xa6: {  	v51 =	vbroadcast v19, $0xA;
	v16 =	vadd.f32 v17, v16;
	v17 =	vmul.f32 v25, v36  }
0xa7: {  	v42 =	vld.idx.msk [tilespmem:v29+s9+$0x0], $0xffff;
	v15 =	vsel vm2, $0x3680, v15;
	v46 =	vor.u32 v14, v18;
	v20 =	vsel vm6, $0x1700, v32  }
0xa8: {  	v45 =	vld.idx.msk [tilespmem:v37+s9+$0x0], $0xffff;
	v20 =	vsel vm5, $0x1F00, v20;
	v16 =	vadd.f32 v17, v16;
	v17 =	vmul.f32 v26, v38  }
0xa9: {  	v15 =	vsel vm1, $0x3E80, v15;
	v21 =	vsel vm6, $0x1780, v35;
	v20 =	vsel vm4, $0x2700, v20  }
0xaa: {  	v21 =	vsel vm5, $0x1F80, v21;
	v16 =	vadd.f32 v17, v16;
	v17 =	vmul.f32 v39, v41  }
0xab: {  	v48 =	vld.idx.msk [tilespmem:v40+s9+$0x0], $0xffff;
	v49 =	vor.u32 v15, v18;
	v20 =	vsel vm3, $0x2F00, v20;
	v21 =	vsel vm4, $0x2780, v21  }
0xac: {  	v20 =	vsel vm2, $0x3700, v20;
	v22 =	vmul.f32 v42, v44;
	v17 =	vadd.f32 v17, v16  }
0xad: {  	v52 =	vld.idx.msk [tilespmem:v43+s9+$0x0], $0xffff;
	v23 =	vmul.f32 v45, v47;
	v21 =	vsel vm3, $0x2F80, v21;
	v16 =	vsel vm1, $0x3F00, v20  }
0xae: {  	v50 =	vsel vm2, $0x3780, v21;
	v53 =	vor.u32 v16, v18;
	v22 =	vadd.f32 v22, v17  }
0xaf: {  	v54 =	vbroadcast v19, $0xB;
	v55 =	vld.idx.msk [tilespmem:v46+s9+$0x0], $0xffff;
	v17 =	vsel vm1, $0x3F80, v50  }
0xb0: {  	v21 =	vmul.f32 v48, v51;
	v18 =	vor.u32 v17, v18;
	v22 =	vadd.f32 v23, v22  }
0xb1: {  	v56 =	vld.idx.msk [tilespmem:v49+s9+$0x0], $0xffff  }
0xb2: {  	v57 =	vbroadcast v19, $0xC;
	v20 =	vmul.f32 v52, v54;
	v21 =	vadd.f32 v21, v22  }
0xb3: {  	v58 =	vld.idx.msk [tilespmem:v53+s9+$0x0], $0xffff  }
0xb4: {  	v59 =	vbroadcast v19, $0xD;
	v60 =	vmul.f32 v55, v57;
	v20 =	vadd.f32 v20, v21  }
0xb5: {  	v18 =	vld.idx.msk [tilespmem:v18+s9+$0x0], $0xffff  }
0xb6: {  	v61 =	vbroadcast v19, $0xE;
	v62 =	vmul.f32 v56, v59;
	v20 =	vadd.f32 v60, v20;
	_ =	sdelay $0x1  }
0xb7: {  	v19 =	vbroadcast v19, $0xF;
	v63 =	vmul.f32 v58, v61;
	v20 =	vadd.f32 v62, v20  }
0xb8: {  	s10 =	ssub.s32 $0x2, s10  }
0xb9: {  	s31 =	sshrl.u32 s10, $0x1;
	v18 =	vmul.f32 v18, v19;
	v20 =	vadd.f32 v63, v20  }
0xba: {  	s10 =	ssub.s32 s10, s31  }
0xbb: {  	s11 =	smax.u32 s10, $0x1;
	v18 =	vadd.f32 v18, v20  }
0xbc: {  	p0 =	sne.s32 s11, $0x1  }
.Ltmp1:
0xbd: {  	v18 =	vsub.f32 $0.0e+00, v18;
	(pc) =	sbr.rel @!p0 .LBB2_3-.Ltmp1, $3  }
0xbe: {  	_ = 	snop  }
0xbf: {  	v18 =	vmul.f32 $1.442695020e+00, v18;
	_ =	sdelay $0x1  }
0xc0: {  	s10 =	simm.s32 $0x2;
	s11 =	sadd.s32 $0xFFFFFFFF, s11;
	(erf) = vpow2.f32 v18  }
.LBB2_2:
0xc1: {  	_ =	sdelay $0x7  }
0xc2: {  	v18 =	vpop (erf)  }
0xc3: {  	v18 =	vadd.f32 $1.000000000e+00, v18;
	_ =	sdelay $0x1  }
0xc4: {  	(erf) = vrcp.f32 v18;
	_ =	sdelay $0x6  }
0xc5: {  	v18 =	vld [tilespmem:$0x4900];
	_ =	sdelay $0x1  }
0xc6: {  	v19 =	vpop (erf)  }
0xc7: {  	vm1 =	vge.f32 v19, $5.000000000e-01  }
0xc8: {  	[tilespmem:$0x4980] =	vst v19;
	v19 =	vsel vm1, $0x1, v0  }
0xc9: {  	vm1 =	veq.s32 v18, v19  }
0xca: {  	s12 =	rddreg [dreg:$0x15];
	v18 =	vsel vm1, $0x1, v0  }
0xcb: {  	s13 =	rddreg [dreg:$0x8];
	[tilespmem:$0x4A00] =	vst v18  }
0xcc: {  	[hbm4b:s13+s2] =	stream.linear.scatter [tilespmem:s12], [sflag:$0x2], $0x8, $0x38;
	[tilespmem:$0x4A80] =	vst v63  }
0xcd: {  	_ =	swait.ge [sflag:s10], $0x8  }
0xce: {  	s21 =	rddreg [dreg:$0x9];
	[sflag:s10] =	ssyncset.done $0x0  }
0xcf: {  	s22 =	rddreg [dreg:$0x16];
	[sflag:s10] =	ssyncadd.s32 $0xFFFFFFF8  }
0xd0: {  	[hbm4b:s21+s2] =	stream.linear.scatter [tilespmem:s22], [sflag:$0x2], $0x8, $0x38;
	[tilespmem:$0x4A80] =	vst v63  }
0xd1: {  	_ =	swait.ge [sflag:s10], $0x8  }
0xd2: {  	s23 =	rddreg [dreg:$0xa];
	[sflag:s10] =	ssyncset.done $0x0  }
0xd3: {  	s24 =	rddreg [dreg:$0xd];
	[sflag:s10] =	ssyncadd.s32 $0xFFFFFFF8  }
0xd4: {  	[tilespmem:s2], [sflag:$0x1] =	stream.linear.gather [hbm4b:s23+s2], $0x8, $0x38;
	[tilespmem:$0x4A80] =	vst v63  }
0xd5: {  	s14 =	rddreg [dreg:$0xc]  }
0xd6: {  	[tilespmem:s14], [sflag:$0x1] =	stream.linear.gather [hbm4b:s3+s2], $0x8, $0x38;
	[tilespmem:$0x4A80] =	vst v63  }
0xd7: {  	s25 =	rddreg [dreg:$0xb]  }
0xd8: {  	[tilespmem:s24], [sflag:$0x1] =	stream.linear.gather [hbm4b:s25+s2], $0x8, $0x38;
	[tilespmem:$0x4A80] =	vst v63  }
0xd9: {  	_ =	swait.ge [sflag:s5], $0x8  }
0xda: {  	[sflag:s5] =	ssyncset.done $0x0  }
0xdb: {  	[sflag:s5] =	ssyncadd.s32 $0xFFFFFFF8  }
0xdc: {  	_ =	swait.ge [sflag:s5], $0x8  }
0xdd: {  	[sflag:s5] =	ssyncset.done $0x0  }
0xde: {  	[sflag:s5] =	ssyncadd.s32 $0xFFFFFFF8  }
0xdf: {  	_ =	swait.ge [sflag:s5], $0x8  }
0xe0: {  	[sflag:s5] =	ssyncset.done $0x0  }
0xe1: {  	[sflag:s5] =	ssyncadd.s32 $0xFFFFFFF8  }
0xe2: {  	v18 =	vld [tilespmem:$0x80];
	_ =	sdelay $0x1  }
0xe3: {  	v19 =	vld [tilespmem:$0x0];
	_ =	sdelay $0x2  }
0xe4: {  	(v2sf) =	vpush v18, $0x0;
	_ =	sdelay $0x1  }
0xe5: {  	(v2sf) =	vpush v19, $0x4  }
0xe6: {  	(v2sf) =	vpush v19, $0x3;
	_ =	sdelay $0x1  }
0xe7: {  	(v2sf) =	vpush v19, $0x0;
	_ =	sdelay $0x1  }
0xe8: {  	(v2sf) =	vpush v19, $0x1;
	_ =	sdelay $0x2  }
0xe9: {  	s13 =	rddreg [dreg:$0x12];
	(v2sf) =	vpush v19, $0x2  }
0xea: {  	s14 =	rddreg [dreg:$0x11]  }
0xeb: {  	s15 =	rddreg [dreg:$0x10]  }
0xec: {  	s16 =	rddreg [dreg:$0xf]  }
0xed: {  	s17 =	rddreg [dreg:$0xe]  }
0xee: {  	s25 =	simm.s32 $0x1;
	s22 =	rddreg [dreg:$0x7];
	s21 =	spop (v2sf)  }
0xef: {  	s18 =	sshra.s32 s21, $0x1F;
	p1 =	slt.s32 s21, $0x1;
	s12 =	sand.u32 $0x7F, s21  }
0xf0: {  	s23 =	sshrl.u32 s18, $0x19;
	p2 =	sne.s32 s12, $0x0;
	s18 =	spop (v2sf)  }
0xf1: {  	p1 =	por !p1, !p2;
	s19 =	sshra.s32 s18, $0x1F;
	s20 =	spop (v2sf)  }
0xf2: {  	s23 =	sadd.s32 s23, s21;
	p1 =	por !p1, !p1;
	s19 =	sshrl.u32 s19, $0x19  }
0xf3: {  	s24 =	spop (v2sf);
	s21 =	sshra.s32 s20, $0x1F;
	s28 =	sand.u32 $0x7F, s20  }
0xf4: {  	s23 =	sshrl.u32 s23, $0x7;
	s25 =	simm.s32 @!p1 $0x0;
	s26 =	sshra.s32 s24, $0x1F  }
0xf5: {  	s29 =	spop (v2sf);
	s30 =	sand.u32 $0x7F, s24;
	p1 =	slt.s32 s20, $0x1  }
0xf6: {  	p5 =	slt.s32 s24, $0x1;
	s21 =	sshrl.u32 s21, $0x19;
	s31 =	sand.u32 $0x7F, s29  }
0xf7: {  	s23 =	ssub.s32 s23, s25;
	s26 =	sshrl.u32 s26, $0x19;
	p2 =	slt.s32 s29, $0x1  }
0xf8: {  	s1 =	spop (v2sf);
	p3 =	sne.s32 s30, $0x0;
	s20 =	sadd.s32 s21, s20  }
0xf9: {  	s23 =	sshll.u32 s23, $0x7;
	s25 =	sadd.s32 s26, s24;
	s26 =	sshra.s32 s29, $0x1F  }
0xfa: {  	p4 =	sne.s32 s31, $0x0;
	p6 =	slt.s32 s1, $0x1;
	p3 =	por !p5, !p3  }
0xfb: {  	s30 =	sshra.s32 s1, $0x1F;
	s20 =	sshrl.u32 s20, $0x7;
	s23 =	sand.u32 $0x1FFFFF80, s23  }
0xfc: {  	s26 =	sshrl.u32 s26, $0x19;
	s25 =	sshrl.u32 s25, $0x7;
	p3 =	por !p3, !p3  }
0xfd: {  	p2 =	por !p2, !p4;
	s24 =	sadd.s32 s26, s29;
	s29 =	sand.u32 $0x7F, s1  }
0xfe: {  	s26 =	simm.s32 $0x1;
	p2 =	por !p2, !p2;
	s22 =	sadd.s32 s22, s23  }
0xff: {  	p5 =	sne.s32 s29, $0x0;
	s26 =	simm.s32 @!p3 $0x0;
	s29 =	simm.s32 $0x1  }
0x100: {  	[tilespmem:s8], [sflag:$0x1] =	stream.strided.gather [hbm4b:s22+s6], $0x800, s7, s6, $0x38;
	[tilespmem:$0x4A80] =	vst v63  }
0x101: {  	s24 =	sshrl.u32 s24, $0x7;
	p5 =	por !p6, !p5;
	s25 =	ssub.s32 s25, s26  }
0x102: {  	(v2sf) =	vpush v19, $0x5;
	s26 =	sshrl.u32 s30, $0x19;
	p6 =	sne.s32 s28, $0x0;
	p3 =	por !p5, !p5  }
0x103: {  	s31 =	sshll.u32 s25, $0x7;
	s25 =	simm.s32 $0x1;
	s1 =	sadd.s32 s26, s1  }
0x104: {  	(v2sf) =	vpush v19, $0x6;
	p1 =	por !p1, !p6;
	s25 =	simm.s32 @!p2 $0x0;
	s23 =	sand.u32 $0x1FFFFF80, s31  }
0x105: {  	s29 =	simm.s32 @!p3 $0x0;
	s1 =	sshrl.u32 s1, $0x7;
	p1 =	por !p1, !p1  }
0x106: {  	p3 =	slt.s32 s18, $0x1;
	s23 =	sadd.s32 s4, s23;
	s24 =	ssub.s32 s24, s25  }
0x107: {  	s1 =	ssub.s32 s1, s29;
	s29 =	sand.u32 $0x7F, s18;
	s25 =	simm.s32 $0x1  }
0x108: {  	(v2sf) =	vpush v19, $0x7;
	s18 =	sadd.s32 s19, s18;
	s24 =	sshll.u32 s24, $0x7;
	s25 =	simm.s32 @!p1 $0x0  }
0x109: {  	p4 =	sne.s32 s29, $0x0;
	s1 =	sshll.u32 s1, $0x7;
	s18 =	sshrl.u32 s18, $0x7  }
0x10a: {  	[tilespmem:s9], [sflag:$0x1] =	stream.strided.gather [hbm4b:s23+s6], $0x800, s7, s6, $0x38;
	[tilespmem:$0x4A80] =	vst v63  }
0x10b: {  	s24 =	sand.u32 $0x1FFFFF80, s24;
	s20 =	ssub.s32 s20, s25;
	p1 =	por !p3, !p4  }
0x10c: {  	s30 =	sshll.u32 s20, $0x7;
	p1 =	por !p1, !p1;
	s20 =	simm.s32 $0x1  }
0x10d: {  	s1 =	sand.u32 $0x1FFFFF80, s1;
	s28 =	sadd.s32 s4, s24;
	s20 =	simm.s32 @!p1 $0x0  }
0x10e: {  	[tilespmem:s17], [sflag:$0x1] =	stream.strided.gather [hbm4b:s28+s6], $0x800, s7, s6, $0x38;
	[tilespmem:$0x4A80] =	vst v63  }
0x10f: {  	s1 =	sadd.s32 s4, s1;
	s19 =	sand.u32 $0x1FFFFF80, s30;
	s18 =	ssub.s32 s18, s20  }
0x110: {  	[tilespmem:s16], [sflag:$0x1] =	stream.strided.gather [hbm4b:s1+s6], $0x800, s7, s6, $0x38;
	[tilespmem:$0x4A80] =	vst v63  }
0x111: {  	s17 =	simm.s32 $0x1;
	s18 =	sshll.u32 s18, $0x7;
	s31 =	spop (v2sf)  }
0x112: {  	s18 =	sand.u32 $0x1FFFFF80, s18;
	s25 =	sshra.s32 s31, $0x1F;
	s26 =	sand.u32 $0x7F, s31  }
0x113: {  	p5 =	slt.s32 s31, $0x1;
	s29 =	spop (v2sf);
	s18 =	sadd.s32 s4, s18  }
0x114: {  	s21 =	sshrl.u32 s25, $0x19;
	p6 =	sne.s32 s26, $0x0;
	s30 =	sand.u32 $0x7F, s29  }
0x115: {  	p3 =	slt.s32 s29, $0x1;
	p1 =	por !p5, !p6;
	s20 =	sadd.s32 s21, s31  }
0x116: {  	s31 =	sadd.s32 s4, s19;
	s19 =	simm.s32 $0x1;
	p4 =	sne.s32 s30, $0x0  }
0x117: {  	s21 =	spop (v2sf);
	p1 =	por !p1, !p1;
	s20 =	sshrl.u32 s20, $0x7  }
0x118: {  	[tilespmem:s15], [sflag:$0x1] =	stream.strided.gather [hbm4b:s31+s6], $0x800, s7, s6, $0x38;
	[tilespmem:$0x4A80] =	vst v63  }
0x119: {  	s22 =	sand.u32 $0x7F, s21;
	s23 =	sshra.s32 s21, $0x1F;
	p5 =	slt.s32 s21, $0x1  }
0x11a: {  	s19 =	simm.s32 @!p1 $0x0;
	p1 =	por !p3, !p4;
	p6 =	sne.s32 s22, $0x0  }
0x11b: {  	s24 =	sshrl.u32 s23, $0x19;
	s19 =	ssub.s32 s20, s19;
	s20 =	sshra.s32 s29, $0x1F  }
0x11c: {  	[tilespmem:s14], [sflag:$0x1] =	stream.strided.gather [hbm4b:s18+s6], $0x800, s7, s6, $0x38;
	[tilespmem:$0x4A80] =	vst v63  }
0x11d: {  	p1 =	por !p1, !p1;
	s16 =	sadd.s32 s24, s21;
	s1 =	sshll.u32 s19, $0x7  }
0x11e: {  	s15 =	sshrl.u32 s20, $0x19;
	s17 =	simm.s32 @!p1 $0x0;
	p1 =	por !p5, !p6  }
0x11f: {  	s26 =	sshrl.u32 s16, $0x7;
	s16 =	simm.s32 $0x1;
	s15 =	sadd.s32 s15, s29  }
0x120: {  	s1 =	sand.u32 $0x1FFFFF80, s1;
	p1 =	por !p1, !p1;
	s15 =	sshrl.u32 s15, $0x7  }
0x121: {  	s1 =	sadd.s32 s4, s1;
	s16 =	simm.s32 @!p1 $0x0;
	s15 =	ssub.s32 s15, s17  }
0x122: {  	[tilespmem:s13], [sflag:$0x1] =	stream.strided.gather [hbm4b:s1+s6], $0x800, s7, s6, $0x38;
	[tilespmem:$0x4A80] =	vst v63  }
0x123: {  	s29 =	ssub.s32 s26, s16;
	s15 =	sshll.u32 s15, $0x7  }
0x124: {  	s13 =	sshll.u32 s29, $0x7;
	s25 =	sand.u32 $0x1FFFFF80, s15  }
0x125: {  	s28 =	rddreg [dreg:$0x13];
	s13 =	sand.u32 $0x1FFFFF80, s13;
	s14 =	sadd.s32 s4, s25  }
0x126: {  	[tilespmem:s28], [sflag:$0x1] =	stream.strided.gather [hbm4b:s14+s6], $0x800, s7, s6, $0x38;
	[tilespmem:$0x4A80] =	vst v63  }
0x127: {  	s30 =	rddreg [dreg:$0x14];
	s31 =	sadd.s32 s4, s13  }
0x128: {  	[tilespmem:s30], [sflag:$0x1] =	stream.strided.gather [hbm4b:s31+s6], $0x800, s7, s6, $0x38;
	[tilespmem:$0x4A80] =	vst v63  }
0x129: {  	_ =	swait.ge [sflag:s5], $0x800  }
0x12a: {  	[sflag:s5] =	ssyncset.done $0x0  }
0x12b: {  	[sflag:s5] =	ssyncadd.s32 $0xFFFFF800  }
0x12c: {  	_ =	swait.ge [sflag:s5], $0x800  }
0x12d: {  	[sflag:s5] =	ssyncset.done $0x0  }
0x12e: {  	[sflag:s5] =	ssyncadd.s32 $0xFFFFF800  }
0x12f: {  	_ =	swait.ge [sflag:s5], $0x800  }
0x130: {  	[sflag:s5] =	ssyncset.done $0x0  }
0x131: {  	[sflag:s5] =	ssyncadd.s32 $0xFFFFF800  }
0x132: {  	_ =	swait.ge [sflag:s5], $0x800  }
0x133: {  	[sflag:s5] =	ssyncset.done $0x0  }
0x134: {  	[sflag:s5] =	ssyncadd.s32 $0xFFFFF800  }
0x135: {  	_ =	swait.ge [sflag:s5], $0x800  }
0x136: {  	[sflag:s5] =	ssyncset.done $0x0  }
0x137: {  	[sflag:s5] =	ssyncadd.s32 $0xFFFFF800  }
0x138: {  	_ =	swait.ge [sflag:s5], $0x800  }
0x139: {  	[sflag:s5] =	ssyncset.done $0x0  }
0x13a: {  	[sflag:s5] =	ssyncadd.s32 $0xFFFFF800  }
0x13b: {  	_ =	swait.ge [sflag:s5], $0x800  }
0x13c: {  	[sflag:s5] =	ssyncset.done $0x0  }
0x13d: {  	[sflag:s5] =	ssyncadd.s32 $0xFFFFF800  }
0x13e: {  	_ =	swait.ge [sflag:s5], $0x800  }
0x13f: {  	v18 =	vnsel vm0, $0x0, v19;
	v19 =	vor.u32 s12, v1;
	[sflag:s5] =	ssyncset.done $0x0  }
0x140: {  	v18 =	vand.u32 $0x7F, v18;
	[sflag:s5] =	ssyncadd.s32 $0xFFFFF800  }
0x141: {  	v20 =	vor.u32 v2, v18;
	_ =	swait.ge [sflag:s5], $0x800  }
0x142: {  	[sflag:s5] =	ssyncset.done $0x0  }
0x143: {  	v21 =	vor.u32 v3, v18;
	[sflag:s5] =	ssyncadd.s32 $0xFFFFF800  }
0x144: {  	v19 =	vld.idx.msk [tilespmem:v19+s8+$0x0], $0xffff  }
0x145: {  	v22 =	vor.u32 v4, v18  }
0x146: {  	v20 =	vld.idx.msk [tilespmem:v20+s9+$0x0], $0xffff  }
0x147: {  	v23 =	vor.u32 v5, v18  }
0x148: {  	v21 =	vld.idx.msk [tilespmem:v21+s9+$0x0], $0xffff  }
0x149: {  	v24 =	vor.u32 v6, v18;
	v25 =	vbroadcast v19, $0x0  }
0x14a: {  	v22 =	vld.idx.msk [tilespmem:v22+s9+$0x0], $0xffff  }
0x14b: {  	v29 =	vor.u32 v7, v18;
	v26 =	vbroadcast v19, $0x1;
	v20 =	vmul.f32 v25, v20  }
0x14c: {  	v31 =	vor.u32 v8, v18;
	v23 =	vld.idx.msk [tilespmem:v23+s9+$0x0], $0xffff  }
0x14d: {  	v27 =	vbroadcast v19, $0x2;
	v21 =	vmul.f32 v21, v26;
	v20 =	vadd.f32 $0.0e+00, v20  }
0x14e: {  	v33 =	vor.u32 v9, v18;
	v24 =	vld.idx.msk [tilespmem:v24+s9+$0x0], $0xffff  }
0x14f: {  	v28 =	vbroadcast v19, $0x3;
	v56 =	vmul.f32 v22, v27;
	v20 =	vadd.f32 v21, v20  }
0x150: {  	v59 =	vor.u32 v10, v18;
	v57 =	vld.idx.msk [tilespmem:v29+s9+$0x0], $0xffff  }
0x151: {  	v54 =	vbroadcast v19, $0x4;
	v60 =	vmul.f32 v23, v28;
	v20 =	vadd.f32 v56, v20  }
0x152: {  	v63 =	vor.u32 v11, v18;
	v61 =	vld.idx.msk [tilespmem:v31+s9+$0x0], $0xffff  }
0x153: {  	v30 =	vbroadcast v19, $0x5;
	v40 =	vmul.f32 v24, v54;
	v20 =	vadd.f32 v60, v20  }
0x154: {  	v42 =	vor.u32 v12, v18;
	v41 =	vld.idx.msk [tilespmem:v33+s9+$0x0], $0xffff  }
0x155: {  	v32 =	vbroadcast v19, $0x6;
	v43 =	vmul.f32 v57, v30;
	v20 =	vadd.f32 v40, v20  }
0x156: {  	v45 =	vor.u32 v13, v18;
	v44 =	vld.idx.msk [tilespmem:v59+s9+$0x0], $0xffff  }
0x157: {  	v55 =	vbroadcast v19, $0x7;
	v46 =	vmul.f32 v61, v32;
	v20 =	vadd.f32 v43, v20  }
0x158: {  	v48 =	vor.u32 v14, v18;
	v47 =	vld.idx.msk [tilespmem:v63+s9+$0x0], $0xffff  }
0x159: {  	v34 =	vbroadcast v19, $0x8;
	v49 =	vmul.f32 v41, v55;
	v20 =	vadd.f32 v46, v20  }
0x15a: {  	v51 =	vor.u32 v15, v18;
	v50 =	vld.idx.msk [tilespmem:v42+s9+$0x0], $0xffff  }
0x15b: {  	v35 =	vbroadcast v19, $0x9;
	v52 =	vmul.f32 v44, v34;
	v20 =	vadd.f32 v49, v20  }
0x15c: {  	v53 =	vld.idx.msk [tilespmem:v45+s9+$0x0], $0xffff;
	v58 =	vbroadcast v19, $0xA  }
0x15d: {  	v54 =	vor.u32 v16, v18;
	v55 =	vmul.f32 v47, v35;
	v20 =	vadd.f32 v52, v20  }
0x15e: {  	v36 =	vbroadcast v19, $0xB;
	v56 =	vld.idx.msk [tilespmem:v48+s9+$0x0], $0xffff  }
0x15f: {  	v18 =	vor.u32 v17, v18;
	v57 =	vmul.f32 v50, v58;
	v20 =	vadd.f32 v55, v20  }
0x160: {  	v58 =	vld.idx.msk [tilespmem:v51+s9+$0x0], $0xffff  }
0x161: {  	v37 =	vbroadcast v19, $0xC;
	v59 =	vmul.f32 v53, v36;
	v20 =	vadd.f32 v57, v20  }
0x162: {  	v60 =	vld.idx.msk [tilespmem:v54+s9+$0x0], $0xffff  }
0x163: {  	v62 =	vbroadcast v19, $0xD;
	v61 =	vmul.f32 v56, v37;
	v20 =	vadd.f32 v59, v20  }
0x164: {  	v18 =	vld.idx.msk [tilespmem:v18+s9+$0x0], $0xffff  }
0x165: {  	v38 =	vbroadcast v19, $0xE;
	v62 =	vmul.f32 v58, v62;
	v20 =	vadd.f32 v61, v20;
	_ =	sdelay $0x1  }
0x166: {  	v19 =	vbroadcast v19, $0xF;
	v63 =	vmul.f32 v60, v38;
	v20 =	vadd.f32 v62, v20;
	_ =	sdelay $0x1  }
0x167: {  	v18 =	vmul.f32 v18, v19;
	v20 =	vadd.f32 v63, v20;
	_ =	sdelay $0x1  }
0x168: {  	v18 =	vadd.f32 v18, v20  }
0x169: {  	p0 =	sne.s32 s11, $0x1  }
.Ltmp2:
0x16a: {  	v18 =	vsub.f32 $0.0e+00, v18;
	(pc) =	sbr.rel @p0 .LBB2_2-.Ltmp2, $3  }
0x16b: {  	_ = 	snop  }
0x16c: {  	v18 =	vmul.f32 $1.442695020e+00, v18;
	_ =	sdelay $0x1  }
0x16d: {  	s11 =	sadd.s32 $0xFFFFFFFF, s11;
	(erf) = vpow2.f32 v18  }
.LBB2_3:
0x16e: {  	_ =	sdelay $0x7  }
0x16f: {  	v1 =	vpop (erf)  }
0x170: {  	v1 =	vadd.f32 $1.000000000e+00, v1;
	_ =	sdelay $0x1  }
0x171: {  	(erf) = vrcp.f32 v1;
	_ =	sdelay $0x6  }
0x172: {  	v62 =	vld [tilespmem:$0x4900];
	_ =	sdelay $0x1  }
0x173: {  	v2 =	vpop (erf)  }
0x174: {  	vm0 =	vge.f32 v2, $5.000000000e-01  }
0x175: {  	v3 =	vsel vm0, $0x1, v0  }
0x176: {  	vm0 =	veq.s32 v62, v3  }
0x177: {  	s1 =	rddreg [dreg:$0x15];
	[tilespmem:$0x4980] =	vst v2;
	v63 =	vsel vm0, $0x1, v0  }
0x178: {  	s3 =	rddreg [dreg:$0x8];
	[tilespmem:$0x4A00] =	vst v63  }
0x179: {  	[hbm4b:s3+s2] =	stream.linear.scatter [tilespmem:s1], [sflag:$0x2], $0x8, $0x38;
	[tilespmem:$0x4A80] =	vst v63  }
0x17a: {  	_ =	swait.ge [sflag:s10], $0x8  }
0x17b: {  	s30 =	rddreg [dreg:$0x9];
	[sflag:s10] =	ssyncset.done $0x0  }
0x17c: {  	s31 =	rddreg [dreg:$0x16];
	[sflag:s10] =	ssyncadd.s32 $0xFFFFFFF8  }
0x17d: {  	[hbm4b:s30+s2] =	stream.linear.scatter [tilespmem:s31], [sflag:$0x2], $0x8, $0x38;
	[tilespmem:$0x4A80] =	vst v63  }
0x17e: {  	_ =	swait.ge [sflag:s10], $0x8  }
0x17f: {  	[sflag:s10] =	ssyncset.done $0x0  }
0x180: {  	[sflag:s10] =	ssyncadd.s32 $0xFFFFFFF8  }
0x181: {  	s1 =	rddreg [dreg:$0x6]  }
.LBB2_4:
0x182: {  	_ =	sfence.sel $0x180000  }
0x183: {  	[bflag:$0x0] =	sbarrier.arrive $0xFFFF  }
0x184: {  	p0 =	sne.s32 s0, $0x0;
	_ =	strace $0x90000047  }
0x185: {  	s0 =	sadd.s32 @!p0 $0x100000, s1;
	[bflag:$0x2] =	sbarrier.arrive $0xFFFF  }
0x186: {  	[sflag:s0] =	ssyncadd.tile.s32 @!p0 $0x1;
	_ =	shalt  }
.Lfunc_end2:
_tile_overlayer_lowered:
.L_overlay_start_2:
0x187: {  	(tag) =	ssettag $0x2  }
0x188: {  	s0 =	rddreg [dreg:$0x0];
	s2 =	stileid.u32  }
0x189: {  	s1 =	rddreg [dreg:$0x1];
	p0 =	sne.s32 s2, $0x0  }
0x18a: {  	s3 =	rddreg [dreg:$0x2];
	[bflag:$0x3] =	sbarrier.arrive $0xFFFF;
	s2 =	simm.s32 @!p0 $0x1C02  }
0x18b: {  	[timem:s3], [sflag:s2] =	dma.local @!p0 [hbm:s0], s1  }
0x18c: {  	s0 =	simm.s32 @!p0 $0x2  }
0x18d: {  	_ =	swait.ge @!p0 [sflag:s0], s1  }
0x18e: {  	s1 =	ssub.s32 @!p0 $0x0, s1;
	[sflag:s0] =	ssyncset.done @!p0 $0x0  }
0x18f: {  	[sflag:s0] =	ssyncadd.s32 @!p0 s1  }
0x190: {  	[bflag:$0x3] =	sbarrier.arrive $0xFFFF  }
0x191: {  	_ =	shalt  }

</sc_bundles>
